<compile_context>
chip_gen: v7x
topology: tpu7x:2x2x1
jax: 0.10.2.dev20260603
libtpu: 0.0.44.dev20260713+nightly
codegen_flags: <defaults>
</compile_context>

<pallas_src>
import functools

import jax
import jax.numpy as jnp
from jax import lax
from jax.experimental import pallas as pl
from jax.experimental.pallas import tpu as pltpu
from jax.experimental.pallas import tpu_sc as plsc

H = 128
N_NODES = 100000
NU_ = 50000
NB_ = 50000
BLK = 5000

_NC = 2
_NS = 16
_NW = _NC * _NS
_CH = 128



def _embed_body(x_ref, w_ref, b_ref, o_ref):
    x = x_ref[...].astype(jnp.bfloat16)
    o_ref[...] = jnp.tanh(
        jnp.dot(x, w_ref[...], preferred_element_type=jnp.float32) + b_ref[...]
    ).astype(jnp.bfloat16)


def _embed(x, w, b, blk):
    n = x.shape[0]
    return pl.pallas_call(
        _embed_body,
        grid=(n // blk,),
        in_specs=[
            pl.BlockSpec((blk, H), lambda i: (i, 0)),
            pl.BlockSpec((H, H), lambda i: (0, 0)),
            pl.BlockSpec((1, H), lambda i: (0, 0)),
        ],
        out_specs=pl.BlockSpec((blk, H), lambda i: (i, 0)),
        out_shape=jax.ShapeDtypeStruct((n, H), jnp.bfloat16),
    )(x, w, b)




def _pad_idx(idx_flat, steps0, steps1):
    sp = steps0 + steps1
    total = 16 * sp * _CH
    flat = jnp.concatenate(
        [idx_flat, jnp.zeros((total - idx_flat.shape[0],), jnp.int32)]
    ).reshape(16, sp * _CH)
    maxs = max(steps0, steps1)
    i0 = flat[:, : steps0 * _CH].reshape(16, steps0, _CH)
    i1 = flat[:, steps0 * _CH :].reshape(16, steps1, _CH)
    z0 = jnp.zeros((16, maxs - steps0, _CH), jnp.int32)
    z1 = jnp.zeros((16, maxs - steps1, _CH), jnp.int32)
    i0 = jnp.concatenate([i0, z0], axis=1)
    i1 = jnp.concatenate([i1, z1], axis=1)
    return jnp.stack([i0, i1], axis=1).reshape(_NW, maxs, _CH)


def _sc_gather(table, idx3d, steps0, steps1):
    maxs = idx3d.shape[1]
    total = 16 * (steps0 + steps1) * _CH
    mesh = plsc.VectorSubcoreMesh(core_axis_name="c", subcore_axis_name="s")

    @functools.partial(
        pl.kernel,
        mesh=mesh,
        out_type=jax.ShapeDtypeStruct((total, H), jnp.float32),
        scratch_types=[
            pltpu.VMEM((maxs, _CH), jnp.int32),
            pltpu.VMEM((_CH, H), jnp.float32),
            pltpu.SemaphoreType.DMA,
        ],
    )
    def gather_kernel(table_hbm, idx_hbm, out_hbm, idx_v, rows_v, sem):
        s = lax.axis_index("s")
        c = lax.axis_index("c")
        wid = s * _NC + c
        my_steps = steps0 + c * (steps1 - steps0)
        row0 = s * (steps0 + steps1) + c * steps0
        pltpu.sync_copy(idx_hbm.at[wid], idx_v)

        def body(j, carry):
            pltpu.async_copy(table_hbm.at[idx_v.at[j]], rows_v, sem).wait()
            pltpu.sync_copy(rows_v, out_hbm.at[pl.ds((row0 + j) * _CH, _CH)])
            return carry

        lax.fori_loop(0, my_steps, body, 0)

    return gather_kernel(table, idx3d)




def _dot(a, w):
    return jnp.dot(a, w, preferred_element_type=jnp.float32)


def _t(v):
    return v.astype(jnp.bfloat16)


def _msg_and_node(r0, emb, msg_layers, node_ws, node_bs):
    (w1, b1) = msg_layers[0]
    r = jnp.tanh(_dot(r0, w1[...]) + b1[...])
    for (w_ref, b_ref) in msg_layers[1:]:
        r = jnp.tanh(
            _dot(jnp.concatenate([_t(r), r0], axis=1), w_ref[...]) + b_ref[...]
        )
    r = _t(r)
    e = jnp.tanh(
        _dot(jnp.concatenate([emb, r], axis=1), node_ws[0][...]) + node_bs[0][...]
    )
    for (w_ref, b_ref) in zip(node_ws[1:], node_bs[1:]):
        e = jnp.tanh(
            _dot(jnp.concatenate([_t(e), emb], axis=1), w_ref[...]) + b_ref[...]
        )
    return e


def _chain_u_body(
    xu_ref, emb_ref, we_ref, be_ref,
    w0, w1, w2, w3, w4, w5, b0, b1, b2, b3, b4, b5,
    wn0, wn1, wn2, wn3, wn4, bn0, bn1, bn2, bn3, bn4,
    o_ref,
):
    emb = emb_ref[...]
    m = _t(jnp.tanh(_dot(_t(xu_ref[...]), we_ref[...]) + be_ref[...]))
    r0 = _t(jnp.tanh(_dot(m, w0[...]) + b0[...]))
    o_ref[...] = _msg_and_node(
        r0, emb,
        ((w1, b1), (w2, b2), (w3, b3), (w4, b4), (w5, b5)),
        (wn0, wn1, wn2, wn3, wn4), (bn0, bn1, bn2, bn3, bn4),
    )


def _chain_b_body(
    xb1_ref, xb2_ref, emb_ref, we_ref, be_ref,
    w0, w1, w2, w3, w4, w5, b0, b1, b2, b3, b4, b5,
    wn0, wn1, wn2, wn3, wn4, bn0, bn1, bn2, bn3, bn4,
    carry_ref, o_ref,
):
    emb = emb_ref[...]
    m1 = _t(jnp.tanh(_dot(_t(xb1_ref[...]), we_ref[...]) + be_ref[...]))
    m2 = _t(jnp.tanh(_dot(_t(xb2_ref[...]), we_ref[...]) + be_ref[...]))
    s0 = _t(
        jnp.tanh(_dot(jnp.concatenate([m1, m2], axis=1), w0[...]) + b0[...])
    )
    o_ref[...] = _msg_and_node(
        s0, emb,
        ((w1, b1), (w2, b2), (w3, b3), (w4, b4), (w5, b5)),
        (wn0, wn1, wn2, wn3, wn4), (bn0, bn1, bn2, bn3, bn4),
    )


_W = pl.BlockSpec((H, H), lambda i: (0, 0))
_W2 = pl.BlockSpec((2 * H, H), lambda i: (0, 0))
_B = pl.BlockSpec((1, H), lambda i: (0, 0))


def _chain_u(gu, emb, we, be, ws, bs, wns, bns):
    return pl.pallas_call(
        _chain_u_body,
        grid=(NU_ // BLK,),
        in_specs=[
            pl.BlockSpec((BLK, H), lambda i: (i, 0)),
            pl.BlockSpec((BLK, H), lambda i: (i, 0)),
            _W, _B,
            _W, _W, _W2, _W2, _W2, _W2,
            _B, _B, _B, _B, _B, _B,
            _W2, _W2, _W2, _W2, _W2,
            _B, _B, _B, _B, _B,
        ],
        out_specs=pl.BlockSpec((BLK, H), lambda i: (i, 0)),
        out_shape=jax.ShapeDtypeStruct((N_NODES, H), jnp.float32),
    )(gu, emb, we, be, *ws, *bs, *wns, *bns)


def _chain_b(gb, emb, we, be, ws, bs, wns, bns, carry):
    nu_b = NU_ // BLK
    return pl.pallas_call(
        _chain_b_body,
        grid=(NB_ // BLK,),
        in_specs=[
            pl.BlockSpec((BLK, H), lambda i: (i, 0)),
            pl.BlockSpec((BLK, H), lambda i: (i + nu_b, 0)),
            pl.BlockSpec((BLK, H), lambda i: (i + nu_b, 0)),
            _W, _B,
            _W2, _W, _W2, _W2, _W2, _W2,
            _B, _B, _B, _B, _B, _B,
            _W2, _W2, _W2, _W2, _W2,
            _B, _B, _B, _B, _B,
            pl.BlockSpec(memory_space=pl.ANY),
        ],
        out_specs=pl.BlockSpec((BLK, H), lambda i: (i + nu_b, 0)),
        out_shape=jax.ShapeDtypeStruct((N_NODES, H), jnp.float32),
        input_output_aliases={27: 0},
    )(gb, gb, emb, we, be, *ws, *bs, *wns, *bns, carry)




def kernel(node_feats, unary_src, binary_src, params):
    p = params
    bf16 = jnp.bfloat16

    u0, u1 = 15, 11
    b0_, b1_ = 33, 16
    idx_u = _pad_idx(unary_src, u0, u1)
    idx_b = _pad_idx(
        jnp.concatenate([binary_src[:, 0], binary_src[:, 1]]), b0_, b1_
    )
    we = p["We"].astype(bf16)
    be = p["be"].reshape(1, H)
    we, idx_u, idx_b = lax.optimization_barrier((we, idx_u, idx_b))
    gu = _sc_gather(node_feats, idx_u, u0, u1)
    gb = _sc_gather(node_feats, idx_b, b0_, b1_)
    emb = _embed(node_feats, we, be, 2000)

    def wc(n):
        return p["W" + n].astype(bf16)

    def b2d(n):
        return p["b" + n].reshape(1, H)

    wsu = [wc("u%d" % i) for i in range(6)]
    bsu = [b2d("u%d" % i) for i in range(6)]
    wsb = [wc("b%d" % i) for i in range(6)]
    bsb = [b2d("b%d" % i) for i in range(6)]
    wns = [wc("n%d" % i) for i in range(5)]
    bns = [b2d("n%d" % i) for i in range(5)]

    e_u = _chain_u(gu, emb, we, be, wsu, bsu, wns, bns)
    return _chain_b(gb, emb, we, be, wsb, bsb, wns, bns, e_u)

# --- scband reference (transcript-rebuilt; emitter-appended) ---
"""Pipeline reference for scband-fwd-gnn-dense-45174466019868 (READ-ONLY COPY).

The authoritative reference and input builder live on the scoring server;
editing this copy changes nothing except your own understanding.
"""

import jax, jax.numpy as jnp
import numpy as np

N = 100000
FEAT_DIM = 128
HIDDEN_DIM = 128
NU = 50000
NB = 50000

def _init_linear(key, fan_in, fan_out):
    k1, k2 = jax.random.split(key)
    lim = 1.0 / np.sqrt(fan_in)
    W = jax.random.uniform(k1, (fan_in, fan_out), dtype=jnp.float32, minval=-lim, maxval=lim)
    b = jax.random.uniform(k2, (fan_out,), dtype=jnp.float32, minval=-lim, maxval=lim)
    return W, b

def _make_params(key):
    H = HIDDEN_DIM
    params = {}
    names = [('e', FEAT_DIM, H)]
    for i in range(5):
        names.append(('n%d' % i, 2 * H, H))
    names.append(('u0', H, H))
    names.append(('u1', H, H))
    for i in range(2, 6):
        names.append(('u%d' % i, 2 * H, H))
    names.append(('b0', 2 * H, H))
    names.append(('b1', H, H))
    for i in range(2, 6):
        names.append(('b%d' % i, 2 * H, H))
    for j, (n, fi, fo) in enumerate(names):
        W, b = _init_linear(jax.random.fold_in(key, j), fi, fo)
        params['W' + n] = W
        params['b' + n] = b
    return params

def setup_inputs(seed: int = 0):
    key = jax.random.key(seed)
    node_feats = jax.random.normal(jax.random.fold_in(key, 100), (N, FEAT_DIM), dtype=jnp.float32)
    unary_src = jax.random.randint(jax.random.fold_in(key, 101), (NU,), 0, N, dtype=jnp.int32)
    binary_src = jax.random.randint(jax.random.fold_in(key, 102), (NB, 2), 0, N, dtype=jnp.int32)
    params = _make_params(jax.random.fold_in(key, 103))
    return {"node_feats": node_feats, "unary_src": unary_src, "binary_src": binary_src, "params": params}

def _forward(node_feats, params, unary_src, binary_src):
    H = HIDDEN_DIM
    act = jnp.tanh
    def lin(x, n):
        return x @ params['W' + n] + params['b' + n]
    # apply_func first pass: embed raw node features
    embeds0 = act(lin(node_feats, 'e'))
    # msg_func + redux_func for unary-op nodes (mailbox has 1 message)
    m = jnp.take(embeds0, unary_src, axis=0)
    r0 = act(lin(m, 'u0'))
    r = act(lin(r0, 'u1'))
    for i in range(2, 6):
        r = act(lin(jnp.concatenate([r, r0], axis=-1), 'u%d' % i))
    # msg_func + redux_func for binary-op nodes (mailbox has 2 messages, concatenated to 2H)
    mb = jnp.take(embeds0, binary_src.reshape(-1), axis=0).reshape(NB, 2 * H)
    s0 = act(lin(mb, 'b0'))
    s = act(lin(s0, 'b1'))
    for i in range(2, 6):
        s = act(lin(jnp.concatenate([s, s0], axis=-1), 'b%d' % i))
    # nodes 0..NU-1 are unary ops, NU..N-1 are binary ops
    msgs_redux = jnp.concatenate([r, s], axis=0)
    # apply_func second branch: fuse node embed with reduced messages
    e = act(lin(jnp.concatenate([embeds0, msgs_redux], axis=-1), 'n0'))
    for i in range(1, 5):
        e = act(lin(jnp.concatenate([e, embeds0], axis=-1), 'n%d' % i))
    return e

def reference(node_feats, unary_src, binary_src, params):
    return _forward(node_feats, params, unary_src, binary_src)

if __name__ == "__main__":
    import jax
    _d = setup_inputs()
    print(jax.jit(kernel)(*tuple(_d.values())))

</pallas_src>

<mosaic_0001>
#map = affine_map<(d0, d1) -> (0, 0)>
#map1 = affine_map<(d0, d1) -> (0, 0, 0)>
module attributes {stable_mosaic.version = 14 : i64} {
  func.func @gather_kernel(%arg0: i32, %arg1: i32, %arg2: memref<100000x128xf32, #tpu.memory_space<hbm>>, %arg3: memref<32x15x128xi32, #tpu.memory_space<hbm>>, %arg4: memref<53248x128xf32, #tpu.memory_space<hbm>>, %arg5: memref<15x128xi32, #tpu.memory_space<vmem>>, %arg6: memref<128x128xf32, #tpu.memory_space<vmem>>, %arg7: memref<!tpu.dma_semaphore, #tpu.memory_space<semaphore_mem>>) attributes {dimension_semantics = [#tpu.dimension_semantics<core_parallel>, #tpu.dimension_semantics<subcore_parallel>], iteration_bounds = array<i64: 2, 16>, scalar_prefetch = 0 : i64, scratch_operands = 3 : i64, tpu.core_type = #tpu.core_type<sc_vector_subcore>, window_params = [{transform_indices = #map}, {transform_indices = #map1}, {transform_indices = #map}]} {
    %mul3A = arith.constant 2 : i32
    %mul3A_0 = arith.muli %arg1, %mul3A : i32
    %add3A = arith.addi %mul3A_0, %arg0 : i32
    %mul3A_1 = arith.constant -4 : i32
    %mul3A_2 = arith.muli %arg0, %mul3A_1 : i32
    %add3A_3 = arith.constant 15 : i32
    %add3A_4 = arith.addi %add3A_3, %mul3A_2 : i32
    %mul3A_5 = arith.constant 26 : i32
    %mul3A_6 = arith.muli %arg1, %mul3A_5 : i32
    %mul3A_7 = arith.constant 15 : i32
    %mul3A_8 = arith.muli %arg0, %mul3A_7 : i32
    %add3A_9 = arith.addi %mul3A_6, %mul3A_8 : i32
    "tpu.region"() ({
      %run_scoped3A = tpu.sem_alloc : memref<!tpu.dma_semaphore, #tpu.memory_space<semaphore_mem>>
      %dma_start3A = arith.constant 0 : i32
      %dma_start3A_19 = arith.constant 0 : i32
      %dma_start3A_20 = tpu.memref_slice %arg3[%add3A, %dma_start3A, %dma_start3A_19] : memref<32x15x128xi32, #tpu.memory_space<hbm>> -> memref<1x15x128xi32, #tpu.memory_space<hbm>>
      %dma_start3A_21 = tpu.memref_squeeze %dma_start3A_20 : memref<1x15x128xi32, #tpu.memory_space<hbm>> -> memref<15x128xi32, #tpu.memory_space<hbm>>
      %dma_start3A_22 = arith.constant 0 : i32
      %dma_start3A_23 = arith.constant 0 : i32
      %dma_start3A_24 = tpu.memref_slice %arg3[%add3A, %dma_start3A_22, %dma_start3A_23] : memref<32x15x128xi32, #tpu.memory_space<hbm>> -> memref<1x15x128xi32, #tpu.memory_space<hbm>>
      %dma_start3A_25 = tpu.memref_squeeze %dma_start3A_24 : memref<1x15x128xi32, #tpu.memory_space<hbm>> -> memref<15x128xi32, #tpu.memory_space<hbm>>
      tpu.enqueue_dma source(%dma_start3A_25 : memref<15x128xi32, #tpu.memory_space<hbm>>) target(%arg5 : memref<15x128xi32, #tpu.memory_space<vmem>>) target_semaphore(%run_scoped3A : memref<!tpu.dma_semaphore, #tpu.memory_space<semaphore_mem>>)
      %dma_wait3A = arith.constant 0 : i32
      %dma_wait3A_26 = arith.constant 0 : i32
      %dma_wait3A_27 = tpu.memref_slice %arg3[%add3A, %dma_wait3A, %dma_wait3A_26] : memref<32x15x128xi32, #tpu.memory_space<hbm>> -> memref<1x15x128xi32, #tpu.memory_space<hbm>>
      %dma_wait3A_28 = tpu.memref_squeeze %dma_wait3A_27 : memref<1x15x128xi32, #tpu.memory_space<hbm>> -> memref<15x128xi32, #tpu.memory_space<hbm>>
      %dma_wait3A_29 = arith.constant 0 : i32
      %dma_wait3A_30 = arith.constant 0 : i32
      %dma_wait3A_31 = tpu.memref_slice %arg3[%add3A, %dma_wait3A_29, %dma_wait3A_30] : memref<32x15x128xi32, #tpu.memory_space<hbm>> -> memref<1x15x128xi32, #tpu.memory_space<hbm>>
      %dma_wait3A_32 = tpu.memref_squeeze %dma_wait3A_31 : memref<1x15x128xi32, #tpu.memory_space<hbm>> -> memref<15x128xi32, #tpu.memory_space<hbm>>
      tpu.wait_dma2 semaphore(%run_scoped3A : memref<!tpu.dma_semaphore, #tpu.memory_space<semaphore_mem>>) src(%dma_wait3A_32 : memref<15x128xi32, #tpu.memory_space<hbm>>) dst(%arg5 : memref<15x128xi32, #tpu.memory_space<vmem>>)
      tpu.yield
    }) : () -> ()
    %while3A = arith.constant 0 : i32
    %while3A_10 = arith.constant 0 : i32
    %while3A_11 = arith.subi %add3A_4, %while3A_10 : i32
    %while3A_12 = arith.addi %while3A_10, %while3A_11 : i32
    %while3A_13 = arith.constant 1 : i32
    %while3A_14 = arith.divsi %while3A_11, %while3A_13 : i32
    %while3A_15 = arith.muli %while3A_14, %while3A_13 : i32
    %while3A_16 = arith.addi %while3A_10, %while3A_15 : i32
    %while3A_17 = arith.constant 1 : i32
    scf.for %while3A_19 = %while3A_10 to %while3A_16 step %while3A_17  : i32 {
      %dma_start3A = arith.constant 0 : i32
      %dma_start3A_20 = tpu.memref_slice %arg5[%while3A_19, %dma_start3A] : memref<15x128xi32, #tpu.memory_space<vmem>> -> memref<1x128xi32, #tpu.memory_space<vmem>>
      %dma_start3A_21 = tpu.memref_squeeze %dma_start3A_20 : memref<1x128xi32, #tpu.memory_space<vmem>> -> memref<128xi32, #tpu.memory_space<vmem>>
      %dma_start3A_22 = arith.constant 0 : i32
      %dma_start3A_23 = arith.constant 0 : i32
      %dma_start3A_24 = tpu.memref_slice %arg2[%dma_start3A_22, %dma_start3A_23] : memref<100000x128xf32, #tpu.memory_space<hbm>> -> memref<100000x128xf32, #tpu.memory_space<hbm>>
      tpu.enqueue_indirect_dma source(%dma_start3A_24 : memref<100000x128xf32, #tpu.memory_space<hbm>>) target(%arg6 : memref<128x128xf32, #tpu.memory_space<vmem>>) offsets(%dma_start3A_21 : memref<128xi32, #tpu.memory_space<vmem>>) semaphore(%arg7 : memref<!tpu.dma_semaphore, #tpu.memory_space<semaphore_mem>>)
      %dma_wait3A = arith.constant 0 : i32
      %dma_wait3A_25 = tpu.memref_slice %arg5[%while3A_19, %dma_wait3A] : memref<15x128xi32, #tpu.memory_space<vmem>> -> memref<1x128xi32, #tpu.memory_space<vmem>>
      %dma_wait3A_26 = tpu.memref_squeeze %dma_wait3A_25 : memref<1x128xi32, #tpu.memory_space<vmem>> -> memref<128xi32, #tpu.memory_space<vmem>>
      %dma_wait3A_27 = arith.constant 0 : i32
      %dma_wait3A_28 = arith.constant 0 : i32
      %dma_wait3A_29 = tpu.memref_slice %arg2[%dma_wait3A_27, %dma_wait3A_28] : memref<100000x128xf32, #tpu.memory_space<hbm>> -> memref<100000x128xf32, #tpu.memory_space<hbm>>
      tpu.wait_indirect_dma semaphore(%arg7 : memref<!tpu.dma_semaphore, #tpu.memory_space<semaphore_mem>>) src(%dma_wait3A_29 : memref<100000x128xf32, #tpu.memory_space<hbm>>) dst(%arg6 : memref<128x128xf32, #tpu.memory_space<vmem>>)
      %add3A_30 = arith.addi %add3A_9, %while3A_19 : i32
      %mul3A_31 = arith.constant 128 : i32
      %mul3A_32 = arith.muli %add3A_30, %mul3A_31 : i32
      "tpu.region"() ({
        %run_scoped3A = tpu.sem_alloc : memref<!tpu.dma_semaphore, #tpu.memory_space<semaphore_mem>>
        %dma_start3A_33 = arith.constant 0 : i32
        %dma_start3A_34 = tpu.memref_slice %arg4[%mul3A_32, %dma_start3A_33] : memref<53248x128xf32, #tpu.memory_space<hbm>> -> memref<128x128xf32, #tpu.memory_space<hbm>>
        %dma_start3A_35 = arith.constant 0 : i32
        %dma_start3A_36 = tpu.memref_slice %arg4[%mul3A_32, %dma_start3A_35] : memref<53248x128xf32, #tpu.memory_space<hbm>> -> memref<128x128xf32, #tpu.memory_space<hbm>>
        tpu.enqueue_dma source(%arg6 : memref<128x128xf32, #tpu.memory_space<vmem>>) target(%dma_start3A_36 : memref<128x128xf32, #tpu.memory_space<hbm>>) target_semaphore(%run_scoped3A : memref<!tpu.dma_semaphore, #tpu.memory_space<semaphore_mem>>)
        %dma_wait3A_37 = arith.constant 0 : i32
        %dma_wait3A_38 = tpu.memref_slice %arg4[%mul3A_32, %dma_wait3A_37] : memref<53248x128xf32, #tpu.memory_space<hbm>> -> memref<128x128xf32, #tpu.memory_space<hbm>>
        %dma_wait3A_39 = arith.constant 0 : i32
        %dma_wait3A_40 = tpu.memref_slice %arg4[%mul3A_32, %dma_wait3A_39] : memref<53248x128xf32, #tpu.memory_space<hbm>> -> memref<128x128xf32, #tpu.memory_space<hbm>>
        tpu.wait_dma2 semaphore(%run_scoped3A : memref<!tpu.dma_semaphore, #tpu.memory_space<semaphore_mem>>) src(%arg6 : memref<128x128xf32, #tpu.memory_space<vmem>>) dst(%dma_wait3A_40 : memref<128x128xf32, #tpu.memory_space<hbm>>)
        tpu.yield
      }) : () -> ()
    }
    %while3A_18 = arith.constant 1 : i32
    scf.for %while3A_19 = %while3A_16 to %while3A_12 step %while3A_18  : i32 {
      %dma_start3A = arith.constant 0 : i32
      %dma_start3A_20 = tpu.memref_slice %arg5[%while3A_19, %dma_start3A] : memref<15x128xi32, #tpu.memory_space<vmem>> -> memref<1x128xi32, #tpu.memory_space<vmem>>
      %dma_start3A_21 = tpu.memref_squeeze %dma_start3A_20 : memref<1x128xi32, #tpu.memory_space<vmem>> -> memref<128xi32, #tpu.memory_space<vmem>>
      %dma_start3A_22 = arith.constant 0 : i32
      %dma_start3A_23 = arith.constant 0 : i32
      %dma_start3A_24 = tpu.memref_slice %arg2[%dma_start3A_22, %dma_start3A_23] : memref<100000x128xf32, #tpu.memory_space<hbm>> -> memref<100000x128xf32, #tpu.memory_space<hbm>>
      tpu.enqueue_indirect_dma source(%dma_start3A_24 : memref<100000x128xf32, #tpu.memory_space<hbm>>) target(%arg6 : memref<128x128xf32, #tpu.memory_space<vmem>>) offsets(%dma_start3A_21 : memref<128xi32, #tpu.memory_space<vmem>>) semaphore(%arg7 : memref<!tpu.dma_semaphore, #tpu.memory_space<semaphore_mem>>)
      %dma_wait3A = arith.constant 0 : i32
      %dma_wait3A_25 = tpu.memref_slice %arg5[%while3A_19, %dma_wait3A] : memref<15x128xi32, #tpu.memory_space<vmem>> -> memref<1x128xi32, #tpu.memory_space<vmem>>
      %dma_wait3A_26 = tpu.memref_squeeze %dma_wait3A_25 : memref<1x128xi32, #tpu.memory_space<vmem>> -> memref<128xi32, #tpu.memory_space<vmem>>
      %dma_wait3A_27 = arith.constant 0 : i32
      %dma_wait3A_28 = arith.constant 0 : i32
      %dma_wait3A_29 = tpu.memref_slice %arg2[%dma_wait3A_27, %dma_wait3A_28] : memref<100000x128xf32, #tpu.memory_space<hbm>> -> memref<100000x128xf32, #tpu.memory_space<hbm>>
      tpu.wait_indirect_dma semaphore(%arg7 : memref<!tpu.dma_semaphore, #tpu.memory_space<semaphore_mem>>) src(%dma_wait3A_29 : memref<100000x128xf32, #tpu.memory_space<hbm>>) dst(%arg6 : memref<128x128xf32, #tpu.memory_space<vmem>>)
      %add3A_30 = arith.addi %add3A_9, %while3A_19 : i32
      %mul3A_31 = arith.constant 128 : i32
      %mul3A_32 = arith.muli %add3A_30, %mul3A_31 : i32
      "tpu.region"() ({
        %run_scoped3A = tpu.sem_alloc : memref<!tpu.dma_semaphore, #tpu.memory_space<semaphore_mem>>
        %dma_start3A_33 = arith.constant 0 : i32
        %dma_start3A_34 = tpu.memref_slice %arg4[%mul3A_32, %dma_start3A_33] : memref<53248x128xf32, #tpu.memory_space<hbm>> -> memref<128x128xf32, #tpu.memory_space<hbm>>
        %dma_start3A_35 = arith.constant 0 : i32
        %dma_start3A_36 = tpu.memref_slice %arg4[%mul3A_32, %dma_start3A_35] : memref<53248x128xf32, #tpu.memory_space<hbm>> -> memref<128x128xf32, #tpu.memory_space<hbm>>
        tpu.enqueue_dma source(%arg6 : memref<128x128xf32, #tpu.memory_space<vmem>>) target(%dma_start3A_36 : memref<128x128xf32, #tpu.memory_space<hbm>>) target_semaphore(%run_scoped3A : memref<!tpu.dma_semaphore, #tpu.memory_space<semaphore_mem>>)
        %dma_wait3A_37 = arith.constant 0 : i32
        %dma_wait3A_38 = tpu.memref_slice %arg4[%mul3A_32, %dma_wait3A_37] : memref<53248x128xf32, #tpu.memory_space<hbm>> -> memref<128x128xf32, #tpu.memory_space<hbm>>
        %dma_wait3A_39 = arith.constant 0 : i32
        %dma_wait3A_40 = tpu.memref_slice %arg4[%mul3A_32, %dma_wait3A_39] : memref<53248x128xf32, #tpu.memory_space<hbm>> -> memref<128x128xf32, #tpu.memory_space<hbm>>
        tpu.wait_dma2 semaphore(%run_scoped3A : memref<!tpu.dma_semaphore, #tpu.memory_space<semaphore_mem>>) src(%arg6 : memref<128x128xf32, #tpu.memory_space<vmem>>) dst(%dma_wait3A_40 : memref<128x128xf32, #tpu.memory_space<hbm>>)
        tpu.yield
      }) : () -> ()
    }
    return
  }
}

#map = affine_map<(d0, d1) -> (0, 0)>
#map1 = affine_map<(d0, d1) -> (0, 0, 0)>
module attributes {stable_mosaic.version = 14 : i64} {
  func.func @gather_kernel(%arg0: i32, %arg1: i32, %arg2: memref<100000x128xf32, #tpu.memory_space<hbm>>, %arg3: memref<32x33x128xi32, #tpu.memory_space<hbm>>, %arg4: memref<100352x128xf32, #tpu.memory_space<hbm>>, %arg5: memref<33x128xi32, #tpu.memory_space<vmem>>, %arg6: memref<128x128xf32, #tpu.memory_space<vmem>>, %arg7: memref<!tpu.dma_semaphore, #tpu.memory_space<semaphore_mem>>) attributes {dimension_semantics = [#tpu.dimension_semantics<core_parallel>, #tpu.dimension_semantics<subcore_parallel>], iteration_bounds = array<i64: 2, 16>, scalar_prefetch = 0 : i64, scratch_operands = 3 : i64, tpu.core_type = #tpu.core_type<sc_vector_subcore>, window_params = [{transform_indices = #map}, {transform_indices = #map1}, {transform_indices = #map}]} {
    %mul3A = arith.constant 2 : i32
    %mul3A_0 = arith.muli %arg1, %mul3A : i32
    %add3A = arith.addi %mul3A_0, %arg0 : i32
    %mul3A_1 = arith.constant -17 : i32
    %mul3A_2 = arith.muli %arg0, %mul3A_1 : i32
    %add3A_3 = arith.constant 33 : i32
    %add3A_4 = arith.addi %add3A_3, %mul3A_2 : i32
    %mul3A_5 = arith.constant 49 : i32
    %mul3A_6 = arith.muli %arg1, %mul3A_5 : i32
    %mul3A_7 = arith.constant 33 : i32
    %mul3A_8 = arith.muli %arg0, %mul3A_7 : i32
    %add3A_9 = arith.addi %mul3A_6, %mul3A_8 : i32
    "tpu.region"() ({
      %run_scoped3A = tpu.sem_alloc : memref<!tpu.dma_semaphore, #tpu.memory_space<semaphore_mem>>
      %dma_start3A = arith.constant 0 : i32
      %dma_start3A_19 = arith.constant 0 : i32
      %dma_start3A_20 = tpu.memref_slice %arg3[%add3A, %dma_start3A, %dma_start3A_19] : memref<32x33x128xi32, #tpu.memory_space<hbm>> -> memref<1x33x128xi32, #tpu.memory_space<hbm>>
      %dma_start3A_21 = tpu.memref_squeeze %dma_start3A_20 : memref<1x33x128xi32, #tpu.memory_space<hbm>> -> memref<33x128xi32, #tpu.memory_space<hbm>>
      %dma_start3A_22 = arith.constant 0 : i32
      %dma_start3A_23 = arith.constant 0 : i32
      %dma_start3A_24 = tpu.memref_slice %arg3[%add3A, %dma_start3A_22, %dma_start3A_23] : memref<32x33x128xi32, #tpu.memory_space<hbm>> -> memref<1x33x128xi32, #tpu.memory_space<hbm>>
      %dma_start3A_25 = tpu.memref_squeeze %dma_start3A_24 : memref<1x33x128xi32, #tpu.memory_space<hbm>> -> memref<33x128xi32, #tpu.memory_space<hbm>>
      tpu.enqueue_dma source(%dma_start3A_25 : memref<33x128xi32, #tpu.memory_space<hbm>>) target(%arg5 : memref<33x128xi32, #tpu.memory_space<vmem>>) target_semaphore(%run_scoped3A : memref<!tpu.dma_semaphore, #tpu.memory_space<semaphore_mem>>)
      %dma_wait3A = arith.constant 0 : i32
      %dma_wait3A_26 = arith.constant 0 : i32
      %dma_wait3A_27 = tpu.memref_slice %arg3[%add3A, %dma_wait3A, %dma_wait3A_26] : memref<32x33x128xi32, #tpu.memory_space<hbm>> -> memref<1x33x128xi32, #tpu.memory_space<hbm>>
      %dma_wait3A_28 = tpu.memref_squeeze %dma_wait3A_27 : memref<1x33x128xi32, #tpu.memory_space<hbm>> -> memref<33x128xi32, #tpu.memory_space<hbm>>
      %dma_wait3A_29 = arith.constant 0 : i32
      %dma_wait3A_30 = arith.constant 0 : i32
      %dma_wait3A_31 = tpu.memref_slice %arg3[%add3A, %dma_wait3A_29, %dma_wait3A_30] : memref<32x33x128xi32, #tpu.memory_space<hbm>> -> memref<1x33x128xi32, #tpu.memory_space<hbm>>
      %dma_wait3A_32 = tpu.memref_squeeze %dma_wait3A_31 : memref<1x33x128xi32, #tpu.memory_space<hbm>> -> memref<33x128xi32, #tpu.memory_space<hbm>>
      tpu.wait_dma2 semaphore(%run_scoped3A : memref<!tpu.dma_semaphore, #tpu.memory_space<semaphore_mem>>) src(%dma_wait3A_32 : memref<33x128xi32, #tpu.memory_space<hbm>>) dst(%arg5 : memref<33x128xi32, #tpu.memory_space<vmem>>)
      tpu.yield
    }) : () -> ()
    %while3A = arith.constant 0 : i32
    %while3A_10 = arith.constant 0 : i32
    %while3A_11 = arith.subi %add3A_4, %while3A_10 : i32
    %while3A_12 = arith.addi %while3A_10, %while3A_11 : i32
    %while3A_13 = arith.constant 1 : i32
    %while3A_14 = arith.divsi %while3A_11, %while3A_13 : i32
    %while3A_15 = arith.muli %while3A_14, %while3A_13 : i32
    %while3A_16 = arith.addi %while3A_10, %while3A_15 : i32
    %while3A_17 = arith.constant 1 : i32
    scf.for %while3A_19 = %while3A_10 to %while3A_16 step %while3A_17  : i32 {
      %dma_start3A = arith.constant 0 : i32
      %dma_start3A_20 = tpu.memref_slice %arg5[%while3A_19, %dma_start3A] : memref<33x128xi32, #tpu.memory_space<vmem>> -> memref<1x128xi32, #tpu.memory_space<vmem>>
      %dma_start3A_21 = tpu.memref_squeeze %dma_start3A_20 : memref<1x128xi32, #tpu.memory_space<vmem>> -> memref<128xi32, #tpu.memory_space<vmem>>
      %dma_start3A_22 = arith.constant 0 : i32
      %dma_start3A_23 = arith.constant 0 : i32
      %dma_start3A_24 = tpu.memref_slice %arg2[%dma_start3A_22, %dma_start3A_23] : memref<100000x128xf32, #tpu.memory_space<hbm>> -> memref<100000x128xf32, #tpu.memory_space<hbm>>
      tpu.enqueue_indirect_dma source(%dma_start3A_24 : memref<100000x128xf32, #tpu.memory_space<hbm>>) target(%arg6 : memref<128x128xf32, #tpu.memory_space<vmem>>) offsets(%dma_start3A_21 : memref<128xi32, #tpu.memory_space<vmem>>) semaphore(%arg7 : memref<!tpu.dma_semaphore, #tpu.memory_space<semaphore_mem>>)
      %dma_wait3A = arith.constant 0 : i32
      %dma_wait3A_25 = tpu.memref_slice %arg5[%while3A_19, %dma_wait3A] : memref<33x128xi32, #tpu.memory_space<vmem>> -> memref<1x128xi32, #tpu.memory_space<vmem>>
      %dma_wait3A_26 = tpu.memref_squeeze %dma_wait3A_25 : memref<1x128xi32, #tpu.memory_space<vmem>> -> memref<128xi32, #tpu.memory_space<vmem>>
      %dma_wait3A_27 = arith.constant 0 : i32
      %dma_wait3A_28 = arith.constant 0 : i32
      %dma_wait3A_29 = tpu.memref_slice %arg2[%dma_wait3A_27, %dma_wait3A_28] : memref<100000x128xf32, #tpu.memory_space<hbm>> -> memref<100000x128xf32, #tpu.memory_space<hbm>>
      tpu.wait_indirect_dma semaphore(%arg7 : memref<!tpu.dma_semaphore, #tpu.memory_space<semaphore_mem>>) src(%dma_wait3A_29 : memref<100000x128xf32, #tpu.memory_space<hbm>>) dst(%arg6 : memref<128x128xf32, #tpu.memory_space<vmem>>)
      %add3A_30 = arith.addi %add3A_9, %while3A_19 : i32
      %mul3A_31 = arith.constant 128 : i32
      %mul3A_32 = arith.muli %add3A_30, %mul3A_31 : i32
      "tpu.region"() ({
        %run_scoped3A = tpu.sem_alloc : memref<!tpu.dma_semaphore, #tpu.memory_space<semaphore_mem>>
        %dma_start3A_33 = arith.constant 0 : i32
        %dma_start3A_34 = tpu.memref_slice %arg4[%mul3A_32, %dma_start3A_33] : memref<100352x128xf32, #tpu.memory_space<hbm>> -> memref<128x128xf32, #tpu.memory_space<hbm>>
        %dma_start3A_35 = arith.constant 0 : i32
        %dma_start3A_36 = tpu.memref_slice %arg4[%mul3A_32, %dma_start3A_35] : memref<100352x128xf32, #tpu.memory_space<hbm>> -> memref<128x128xf32, #tpu.memory_space<hbm>>
        tpu.enqueue_dma source(%arg6 : memref<128x128xf32, #tpu.memory_space<vmem>>) target(%dma_start3A_36 : memref<128x128xf32, #tpu.memory_space<hbm>>) target_semaphore(%run_scoped3A : memref<!tpu.dma_semaphore, #tpu.memory_space<semaphore_mem>>)
        %dma_wait3A_37 = arith.constant 0 : i32
        %dma_wait3A_38 = tpu.memref_slice %arg4[%mul3A_32, %dma_wait3A_37] : memref<100352x128xf32, #tpu.memory_space<hbm>> -> memref<128x128xf32, #tpu.memory_space<hbm>>
        %dma_wait3A_39 = arith.constant 0 : i32
        %dma_wait3A_40 = tpu.memref_slice %arg4[%mul3A_32, %dma_wait3A_39] : memref<100352x128xf32, #tpu.memory_space<hbm>> -> memref<128x128xf32, #tpu.memory_space<hbm>>
        tpu.wait_dma2 semaphore(%run_scoped3A : memref<!tpu.dma_semaphore, #tpu.memory_space<semaphore_mem>>) src(%arg6 : memref<128x128xf32, #tpu.memory_space<vmem>>) dst(%dma_wait3A_40 : memref<128x128xf32, #tpu.memory_space<hbm>>)
        tpu.yield
      }) : () -> ()
    }
    %while3A_18 = arith.constant 1 : i32
    scf.for %while3A_19 = %while3A_16 to %while3A_12 step %while3A_18  : i32 {
      %dma_start3A = arith.constant 0 : i32
      %dma_start3A_20 = tpu.memref_slice %arg5[%while3A_19, %dma_start3A] : memref<33x128xi32, #tpu.memory_space<vmem>> -> memref<1x128xi32, #tpu.memory_space<vmem>>
      %dma_start3A_21 = tpu.memref_squeeze %dma_start3A_20 : memref<1x128xi32, #tpu.memory_space<vmem>> -> memref<128xi32, #tpu.memory_space<vmem>>
      %dma_start3A_22 = arith.constant 0 : i32
      %dma_start3A_23 = arith.constant 0 : i32
      %dma_start3A_24 = tpu.memref_slice %arg2[%dma_start3A_22, %dma_start3A_23] : memref<100000x128xf32, #tpu.memory_space<hbm>> -> memref<100000x128xf32, #tpu.memory_space<hbm>>
      tpu.enqueue_indirect_dma source(%dma_start3A_24 : memref<100000x128xf32, #tpu.memory_space<hbm>>) target(%arg6 : memref<128x128xf32, #tpu.memory_space<vmem>>) offsets(%dma_start3A_21 : memref<128xi32, #tpu.memory_space<vmem>>) semaphore(%arg7 : memref<!tpu.dma_semaphore, #tpu.memory_space<semaphore_mem>>)
      %dma_wait3A = arith.constant 0 : i32
      %dma_wait3A_25 = tpu.memref_slice %arg5[%while3A_19, %dma_wait3A] : memref<33x128xi32, #tpu.memory_space<vmem>> -> memref<1x128xi32, #tpu.memory_space<vmem>>
      %dma_wait3A_26 = tpu.memref_squeeze %dma_wait3A_25 : memref<1x128xi32, #tpu.memory_space<vmem>> -> memref<128xi32, #tpu.memory_space<vmem>>
      %dma_wait3A_27 = arith.constant 0 : i32
      %dma_wait3A_28 = arith.constant 0 : i32
      %dma_wait3A_29 = tpu.memref_slice %arg2[%dma_wait3A_27, %dma_wait3A_28] : memref<100000x128xf32, #tpu.memory_space<hbm>> -> memref<100000x128xf32, #tpu.memory_space<hbm>>
      tpu.wait_indirect_dma semaphore(%arg7 : memref<!tpu.dma_semaphore, #tpu.memory_space<semaphore_mem>>) src(%dma_wait3A_29 : memref<100000x128xf32, #tpu.memory_space<hbm>>) dst(%arg6 : memref<128x128xf32, #tpu.memory_space<vmem>>)
      %add3A_30 = arith.addi %add3A_9, %while3A_19 : i32
      %mul3A_31 = arith.constant 128 : i32
      %mul3A_32 = arith.muli %add3A_30, %mul3A_31 : i32
      "tpu.region"() ({
        %run_scoped3A = tpu.sem_alloc : memref<!tpu.dma_semaphore, #tpu.memory_space<semaphore_mem>>
        %dma_start3A_33 = arith.constant 0 : i32
        %dma_start3A_34 = tpu.memref_slice %arg4[%mul3A_32, %dma_start3A_33] : memref<100352x128xf32, #tpu.memory_space<hbm>> -> memref<128x128xf32, #tpu.memory_space<hbm>>
        %dma_start3A_35 = arith.constant 0 : i32
        %dma_start3A_36 = tpu.memref_slice %arg4[%mul3A_32, %dma_start3A_35] : memref<100352x128xf32, #tpu.memory_space<hbm>> -> memref<128x128xf32, #tpu.memory_space<hbm>>
        tpu.enqueue_dma source(%arg6 : memref<128x128xf32, #tpu.memory_space<vmem>>) target(%dma_start3A_36 : memref<128x128xf32, #tpu.memory_space<hbm>>) target_semaphore(%run_scoped3A : memref<!tpu.dma_semaphore, #tpu.memory_space<semaphore_mem>>)
        %dma_wait3A_37 = arith.constant 0 : i32
        %dma_wait3A_38 = tpu.memref_slice %arg4[%mul3A_32, %dma_wait3A_37] : memref<100352x128xf32, #tpu.memory_space<hbm>> -> memref<128x128xf32, #tpu.memory_space<hbm>>
        %dma_wait3A_39 = arith.constant 0 : i32
        %dma_wait3A_40 = tpu.memref_slice %arg4[%mul3A_32, %dma_wait3A_39] : memref<100352x128xf32, #tpu.memory_space<hbm>> -> memref<128x128xf32, #tpu.memory_space<hbm>>
        tpu.wait_dma2 semaphore(%run_scoped3A : memref<!tpu.dma_semaphore, #tpu.memory_space<semaphore_mem>>) src(%arg6 : memref<128x128xf32, #tpu.memory_space<vmem>>) dst(%dma_wait3A_40 : memref<128x128xf32, #tpu.memory_space<hbm>>)
        tpu.yield
      }) : () -> ()
    }
    return
  }
}

module attributes {stable_mosaic.version = 14 : i64} {
  func.func @_embed_body(%arg0: i32, %arg1: memref<2000x128xf32, #tpu.memory_space<vmem>>, %arg2: memref<128x128xbf16, #tpu.memory_space<vmem>>, %arg3: memref<1x128xf32, #tpu.memory_space<vmem>>, %arg4: memref<2000x128xbf16, #tpu.memory_space<vmem>>) attributes {dimension_semantics = [#tpu.dimension_semantics<arbitrary>], iteration_bounds = array<i64: 50>, scalar_prefetch = 0 : i64, scratch_operands = 0 : i64, tpu.core_type = #tpu.core_type<tc>, window_params = [{transform_indices = @transform_0, window_bounds = array<i64: 2000, 128>}, {pipeline_mode = #tpu.pipeline_mode<synchronous>, transform_indices = @transform_1, window_bounds = array<i64: 128, 128>}, {pipeline_mode = #tpu.pipeline_mode<synchronous>, transform_indices = @transform_2, window_bounds = array<i64: 1, 128>}, {transform_indices = @transform_3, window_bounds = array<i64: 2000, 128>}]} {
    %get3A = arith.constant 0 : index
    %get3A_0 = arith.constant 0 : index
    %get3A_1 = vector.load %arg1[%get3A, %get3A_0] : memref<2000x128xf32, #tpu.memory_space<vmem>>, vector<2000x128xf32>
    %convert_element_type3A = arith.truncf %get3A_1 : vector<2000x128xf32> to vector<2000x128xbf16>
    %get3A_2 = arith.constant 0 : index
    %get3A_3 = arith.constant 0 : index
    %get3A_4 = vector.load %arg2[%get3A_2, %get3A_3] : memref<128x128xbf16, #tpu.memory_space<vmem>>, vector<128x128xbf16>
    %dot_general3A = arith.constant dense<0.000000e+00> : vector<2000x128xf32>
    %dot_general3A_5 = tpu.matmul %convert_element_type3A, %get3A_4, %dot_general3A {dimension_numbers = #tpu.dot_dimension_numbers<[1], [0], [0], [1], [0, 0, 1, 1], [], []>, transpose_lhs_hint = false} : vector<2000x128xbf16>, vector<128x128xbf16>, vector<2000x128xf32> -> vector<2000x128xf32>
    %get3A_6 = arith.constant 0 : index
    %get3A_7 = arith.constant 0 : index
    %get3A_8 = vector.load %arg3[%get3A_6, %get3A_7] : memref<1x128xf32, #tpu.memory_space<vmem>>, vector<1x128xf32>
    %add3A = vector.broadcast %get3A_8 : vector<1x128xf32> to vector<2000x128xf32>
    %add3A_9 = arith.addf %dot_general3A_5, %add3A : vector<2000x128xf32>
    %tanh3A = math.tanh %add3A_9 : vector<2000x128xf32>
    %convert_element_type3A_10 = arith.truncf %tanh3A : vector<2000x128xf32> to vector<2000x128xbf16>
    %swap3A = arith.constant 0 : index
    %swap3A_11 = arith.constant 0 : index
    %swap3A_12 = vector.load %arg4[%swap3A, %swap3A_11] : memref<2000x128xbf16, #tpu.memory_space<vmem>>, vector<2000x128xbf16>
    tpu.vector_store %arg4[%swap3A, %swap3A_11], %convert_element_type3A_10 {strides = array<i32>} : memref<2000x128xbf16, #tpu.memory_space<vmem>>, vector<2000x128xbf16>,
    return
  }
  func.func @transform_0(%arg0: i32) -> (i32, i32) {
    %c0_i32 = arith.constant 0 : i32
    %c0_i32_0 = arith.constant 0 : i32
    return %arg0, %c0_i32 : i32, i32
  }
  func.func @transform_1(%arg0: i32) -> (i32, i32) {
    %c0_i32 = arith.constant 0 : i32
    %c0_i32_0 = arith.constant 0 : i32
    %c0_i32_1 = arith.constant 0 : i32
    return %c0_i32, %c0_i32_0 : i32, i32
  }
  func.func @transform_2(%arg0: i32) -> (i32, i32) {
    %c0_i32 = arith.constant 0 : i32
    %c0_i32_0 = arith.constant 0 : i32
    %c0_i32_1 = arith.constant 0 : i32
    return %c0_i32, %c0_i32_0 : i32, i32
  }
  func.func @transform_3(%arg0: i32) -> (i32, i32) {
    %c0_i32 = arith.constant 0 : i32
    %c0_i32_0 = arith.constant 0 : i32
    return %arg0, %c0_i32 : i32, i32
  }
}

module attributes {stable_mosaic.version = 14 : i64} {
  func.func @_chain_b_body(%arg0: i32, %arg1: memref<5000x128xf32, #tpu.memory_space<vmem>>, %arg2: memref<5000x128xf32, #tpu.memory_space<vmem>>, %arg3: memref<5000x128xbf16, #tpu.memory_space<vmem>>, %arg4: memref<128x128xbf16, #tpu.memory_space<vmem>>, %arg5: memref<1x128xf32, #tpu.memory_space<vmem>>, %arg6: memref<256x128xbf16, #tpu.memory_space<vmem>>, %arg7: memref<128x128xbf16, #tpu.memory_space<vmem>>, %arg8: memref<256x128xbf16, #tpu.memory_space<vmem>>, %arg9: memref<256x128xbf16, #tpu.memory_space<vmem>>, %arg10: memref<256x128xbf16, #tpu.memory_space<vmem>>, %arg11: memref<256x128xbf16, #tpu.memory_space<vmem>>, %arg12: memref<1x128xf32, #tpu.memory_space<vmem>>, %arg13: memref<1x128xf32, #tpu.memory_space<vmem>>, %arg14: memref<1x128xf32, #tpu.memory_space<vmem>>, %arg15: memref<1x128xf32, #tpu.memory_space<vmem>>, %arg16: memref<1x128xf32, #tpu.memory_space<vmem>>, %arg17: memref<1x128xf32, #tpu.memory_space<vmem>>, %arg18: memref<256x128xbf16, #tpu.memory_space<vmem>>, %arg19: memref<256x128xbf16, #tpu.memory_space<vmem>>, %arg20: memref<256x128xbf16, #tpu.memory_space<vmem>>, %arg21: memref<256x128xbf16, #tpu.memory_space<vmem>>, %arg22: memref<256x128xbf16, #tpu.memory_space<vmem>>, %arg23: memref<1x128xf32, #tpu.memory_space<vmem>>, %arg24: memref<1x128xf32, #tpu.memory_space<vmem>>, %arg25: memref<1x128xf32, #tpu.memory_space<vmem>>, %arg26: memref<1x128xf32, #tpu.memory_space<vmem>>, %arg27: memref<1x128xf32, #tpu.memory_space<vmem>>, %arg28: memref<100000x128xf32, #tpu.memory_space<any>>, %arg29: memref<5000x128xf32, #tpu.memory_space<vmem>>) attributes {dimension_semantics = [#tpu.dimension_semantics<arbitrary>], iteration_bounds = array<i64: 10>, scalar_prefetch = 0 : i64, scratch_operands = 0 : i64, tpu.core_type = #tpu.core_type<tc>, window_params = [{transform_indices = @transform_0, window_bounds = array<i64: 5000, 128>}, {transform_indices = @transform_1, window_bounds = array<i64: 5000, 128>}, {transform_indices = @transform_2, window_bounds = array<i64: 5000, 128>}, {pipeline_mode = #tpu.pipeline_mode<synchronous>, transform_indices = @transform_3, window_bounds = array<i64: 128, 128>}, {pipeline_mode = #tpu.pipeline_mode<synchronous>, transform_indices = @transform_4, window_bounds = array<i64: 1, 128>}, {pipeline_mode = #tpu.pipeline_mode<synchronous>, transform_indices = @transform_5, window_bounds = array<i64: 256, 128>}, {pipeline_mode = #tpu.pipeline_mode<synchronous>, transform_indices = @transform_6, window_bounds = array<i64: 128, 128>}, {pipeline_mode = #tpu.pipeline_mode<synchronous>, transform_indices = @transform_7, window_bounds = array<i64: 256, 128>}, {pipeline_mode = #tpu.pipeline_mode<synchronous>, transform_indices = @transform_8, window_bounds = array<i64: 256, 128>}, {pipeline_mode = #tpu.pipeline_mode<synchronous>, transform_indices = @transform_9, window_bounds = array<i64: 256, 128>}, {pipeline_mode = #tpu.pipeline_mode<synchronous>, transform_indices = @transform_10, window_bounds = array<i64: 256, 128>}, {pipeline_mode = #tpu.pipeline_mode<synchronous>, transform_indices = @transform_11, window_bounds = array<i64: 1, 128>}, {pipeline_mode = #tpu.pipeline_mode<synchronous>, transform_indices = @transform_12, window_bounds = array<i64: 1, 128>}, {pipeline_mode = #tpu.pipeline_mode<synchronous>, transform_indices = @transform_13, window_bounds = array<i64: 1, 128>}, {pipeline_mode = #tpu.pipeline_mode<synchronous>, transform_indices = @transform_14, window_bounds = array<i64: 1, 128>}, {pipeline_mode = #tpu.pipeline_mode<synchronous>, transform_indices = @transform_15, window_bounds = array<i64: 1, 128>}, {pipeline_mode = #tpu.pipeline_mode<synchronous>, transform_indices = @transform_16, window_bounds = array<i64: 1, 128>}, {pipeline_mode = #tpu.pipeline_mode<synchronous>, transform_indices = @transform_17, window_bounds = array<i64: 256, 128>}, {pipeline_mode = #tpu.pipeline_mode<synchronous>, transform_indices = @transform_18, window_bounds = array<i64: 256, 128>}, {pipeline_mode = #tpu.pipeline_mode<synchronous>, transform_indices = @transform_19, window_bounds = array<i64: 256, 128>}, {pipeline_mode = #tpu.pipeline_mode<synchronous>, transform_indices = @transform_20, window_bounds = array<i64: 256, 128>}, {pipeline_mode = #tpu.pipeline_mode<synchronous>, transform_indices = @transform_21, window_bounds = array<i64: 256, 128>}, {pipeline_mode = #tpu.pipeline_mode<synchronous>, transform_indices = @transform_22, window_bounds = array<i64: 1, 128>}, {pipeline_mode = #tpu.pipeline_mode<synchronous>, transform_indices = @transform_23, window_bounds = array<i64: 1, 128>}, {pipeline_mode = #tpu.pipeline_mode<synchronous>, transform_indices = @transform_24, window_bounds = array<i64: 1, 128>}, {pipeline_mode = #tpu.pipeline_mode<synchronous>, transform_indices = @transform_25, window_bounds = array<i64: 1, 128>}, {pipeline_mode = #tpu.pipeline_mode<synchronous>, transform_indices = @transform_26, window_bounds = array<i64: 1, 128>}, {}, {transform_indices = @transform_28, window_bounds = array<i64: 5000, 128>}]} {
    %get3A = arith.constant 0 : index
    %get3A_0 = arith.constant 0 : index
    %get3A_1 = vector.load %arg3[%get3A, %get3A_0] : memref<5000x128xbf16, #tpu.memory_space<vmem>>, vector<5000x128xbf16>
    %get3A_2 = arith.constant 0 : index
    %get3A_3 = arith.constant 0 : index
    %get3A_4 = vector.load %arg1[%get3A_2, %get3A_3] : memref<5000x128xf32, #tpu.memory_space<vmem>>, vector<5000x128xf32>
    %convert_element_type3A = arith.truncf %get3A_4 : vector<5000x128xf32> to vector<5000x128xbf16>
    %get3A_5 = arith.constant 0 : index
    %get3A_6 = arith.constant 0 : index
    %get3A_7 = vector.load %arg4[%get3A_5, %get3A_6] : memref<128x128xbf16, #tpu.memory_space<vmem>>, vector<128x128xbf16>
    %dot_general3A = arith.constant dense<0.000000e+00> : vector<5000x128xf32>
    %dot_general3A_8 = tpu.matmul %convert_element_type3A, %get3A_7, %dot_general3A {dimension_numbers = #tpu.dot_dimension_numbers<[1], [0], [0], [1], [0, 0, 1, 1], [], []>, transpose_lhs_hint = false} : vector<5000x128xbf16>, vector<128x128xbf16>, vector<5000x128xf32> -> vector<5000x128xf32>
    %get3A_9 = arith.constant 0 : index
    %get3A_10 = arith.constant 0 : index
    %get3A_11 = vector.load %arg5[%get3A_9, %get3A_10] : memref<1x128xf32, #tpu.memory_space<vmem>>, vector<1x128xf32>
    %add3A = vector.broadcast %get3A_11 : vector<1x128xf32> to vector<5000x128xf32>
    %add3A_12 = arith.addf %dot_general3A_8, %add3A : vector<5000x128xf32>
    %tanh3A = math.tanh %add3A_12 : vector<5000x128xf32>
    %convert_element_type3A_13 = arith.truncf %tanh3A : vector<5000x128xf32> to vector<5000x128xbf16>
    %get3A_14 = arith.constant 0 : index
    %get3A_15 = arith.constant 0 : index
    %get3A_16 = vector.load %arg2[%get3A_14, %get3A_15] : memref<5000x128xf32, #tpu.memory_space<vmem>>, vector<5000x128xf32>
    %convert_element_type3A_17 = arith.truncf %get3A_16 : vector<5000x128xf32> to vector<5000x128xbf16>
    %get3A_18 = arith.constant 0 : index
    %get3A_19 = arith.constant 0 : index
    %get3A_20 = vector.load %arg4[%get3A_18, %get3A_19] : memref<128x128xbf16, #tpu.memory_space<vmem>>, vector<128x128xbf16>
    %dot_general3A_21 = arith.constant dense<0.000000e+00> : vector<5000x128xf32>
    %dot_general3A_22 = tpu.matmul %convert_element_type3A_17, %get3A_20, %dot_general3A_21 {dimension_numbers = #tpu.dot_dimension_numbers<[1], [0], [0], [1], [0, 0, 1, 1], [], []>, transpose_lhs_hint = false} : vector<5000x128xbf16>, vector<128x128xbf16>, vector<5000x128xf32> -> vector<5000x128xf32>
    %get3A_23 = arith.constant 0 : index
    %get3A_24 = arith.constant 0 : index
    %get3A_25 = vector.load %arg5[%get3A_23, %get3A_24] : memref<1x128xf32, #tpu.memory_space<vmem>>, vector<1x128xf32>
    %add3A_26 = vector.broadcast %get3A_25 : vector<1x128xf32> to vector<5000x128xf32>
    %add3A_27 = arith.addf %dot_general3A_22, %add3A_26 : vector<5000x128xf32>
    %tanh3A_28 = math.tanh %add3A_27 : vector<5000x128xf32>
    %convert_element_type3A_29 = arith.truncf %tanh3A_28 : vector<5000x128xf32> to vector<5000x128xbf16>
    %concatenate3A = tpu.concatenate %convert_element_type3A_13, %convert_element_type3A_29 in 1 : vector<5000x128xbf16>, vector<5000x128xbf16> -> vector<5000x256xbf16>
    %get3A_30 = arith.constant 0 : index
    %get3A_31 = arith.constant 0 : index
    %get3A_32 = vector.load %arg6[%get3A_30, %get3A_31] : memref<256x128xbf16, #tpu.memory_space<vmem>>, vector<256x128xbf16>
    %dot_general3A_33 = arith.constant dense<0.000000e+00> : vector<5000x128xf32>
    %dot_general3A_34 = tpu.matmul %concatenate3A, %get3A_32, %dot_general3A_33 {dimension_numbers = #tpu.dot_dimension_numbers<[1], [0], [0], [1], [0, 0, 1, 1], [], []>, transpose_lhs_hint = false} : vector<5000x256xbf16>, vector<256x128xbf16>, vector<5000x128xf32> -> vector<5000x128xf32>
    %get3A_35 = arith.constant 0 : index
    %get3A_36 = arith.constant 0 : index
    %get3A_37 = vector.load %arg12[%get3A_35, %get3A_36] : memref<1x128xf32, #tpu.memory_space<vmem>>, vector<1x128xf32>
    %add3A_38 = vector.broadcast %get3A_37 : vector<1x128xf32> to vector<5000x128xf32>
    %add3A_39 = arith.addf %dot_general3A_34, %add3A_38 : vector<5000x128xf32>
    %tanh3A_40 = math.tanh %add3A_39 : vector<5000x128xf32>
    %convert_element_type3A_41 = arith.truncf %tanh3A_40 : vector<5000x128xf32> to vector<5000x128xbf16>
    %get3A_42 = arith.constant 0 : index
    %get3A_43 = arith.constant 0 : index
    %get3A_44 = vector.load %arg7[%get3A_42, %get3A_43] : memref<128x128xbf16, #tpu.memory_space<vmem>>, vector<128x128xbf16>
    %dot_general3A_45 = arith.constant dense<0.000000e+00> : vector<5000x128xf32>
    %dot_general3A_46 = tpu.matmul %convert_element_type3A_41, %get3A_44, %dot_general3A_45 {dimension_numbers = #tpu.dot_dimension_numbers<[1], [0], [0], [1], [0, 0, 1, 1], [], []>, transpose_lhs_hint = false} : vector<5000x128xbf16>, vector<128x128xbf16>, vector<5000x128xf32> -> vector<5000x128xf32>
    %get3A_47 = arith.constant 0 : index
    %get3A_48 = arith.constant 0 : index
    %get3A_49 = vector.load %arg13[%get3A_47, %get3A_48] : memref<1x128xf32, #tpu.memory_space<vmem>>, vector<1x128xf32>
    %add3A_50 = vector.broadcast %get3A_49 : vector<1x128xf32> to vector<5000x128xf32>
    %add3A_51 = arith.addf %dot_general3A_46, %add3A_50 : vector<5000x128xf32>
    %tanh3A_52 = math.tanh %add3A_51 : vector<5000x128xf32>
    %convert_element_type3A_53 = arith.truncf %tanh3A_52 : vector<5000x128xf32> to vector<5000x128xbf16>
    %concatenate3A_54 = tpu.concatenate %convert_element_type3A_53, %convert_element_type3A_41 in 1 : vector<5000x128xbf16>, vector<5000x128xbf16> -> vector<5000x256xbf16>
    %get3A_55 = arith.constant 0 : index
    %get3A_56 = arith.constant 0 : index
    %get3A_57 = vector.load %arg8[%get3A_55, %get3A_56] : memref<256x128xbf16, #tpu.memory_space<vmem>>, vector<256x128xbf16>
    %dot_general3A_58 = arith.constant dense<0.000000e+00> : vector<5000x128xf32>
    %dot_general3A_59 = tpu.matmul %concatenate3A_54, %get3A_57, %dot_general3A_58 {dimension_numbers = #tpu.dot_dimension_numbers<[1], [0], [0], [1], [0, 0, 1, 1], [], []>, transpose_lhs_hint = false} : vector<5000x256xbf16>, vector<256x128xbf16>, vector<5000x128xf32> -> vector<5000x128xf32>
    %get3A_60 = arith.constant 0 : index
    %get3A_61 = arith.constant 0 : index
    %get3A_62 = vector.load %arg14[%get3A_60, %get3A_61] : memref<1x128xf32, #tpu.memory_space<vmem>>, vector<1x128xf32>
    %add3A_63 = vector.broadcast %get3A_62 : vector<1x128xf32> to vector<5000x128xf32>
    %add3A_64 = arith.addf %dot_general3A_59, %add3A_63 : vector<5000x128xf32>
    %tanh3A_65 = math.tanh %add3A_64 : vector<5000x128xf32>
    %convert_element_type3A_66 = arith.truncf %tanh3A_65 : vector<5000x128xf32> to vector<5000x128xbf16>
    %concatenate3A_67 = tpu.concatenate %convert_element_type3A_66, %convert_element_type3A_41 in 1 : vector<5000x128xbf16>, vector<5000x128xbf16> -> vector<5000x256xbf16>
    %get3A_68 = arith.constant 0 : index
    %get3A_69 = arith.constant 0 : index
    %get3A_70 = vector.load %arg9[%get3A_68, %get3A_69] : memref<256x128xbf16, #tpu.memory_space<vmem>>, vector<256x128xbf16>
    %dot_general3A_71 = arith.constant dense<0.000000e+00> : vector<5000x128xf32>
    %dot_general3A_72 = tpu.matmul %concatenate3A_67, %get3A_70, %dot_general3A_71 {dimension_numbers = #tpu.dot_dimension_numbers<[1], [0], [0], [1], [0, 0, 1, 1], [], []>, transpose_lhs_hint = false} : vector<5000x256xbf16>, vector<256x128xbf16>, vector<5000x128xf32> -> vector<5000x128xf32>
    %get3A_73 = arith.constant 0 : index
    %get3A_74 = arith.constant 0 : index
    %get3A_75 = vector.load %arg15[%get3A_73, %get3A_74] : memref<1x128xf32, #tpu.memory_space<vmem>>, vector<1x128xf32>
    %add3A_76 = vector.broadcast %get3A_75 : vector<1x128xf32> to vector<5000x128xf32>
    %add3A_77 = arith.addf %dot_general3A_72, %add3A_76 : vector<5000x128xf32>
    %tanh3A_78 = math.tanh %add3A_77 : vector<5000x128xf32>
    %convert_element_type3A_79 = arith.truncf %tanh3A_78 : vector<5000x128xf32> to vector<5000x128xbf16>
    %concatenate3A_80 = tpu.concatenate %convert_element_type3A_79, %convert_element_type3A_41 in 1 : vector<5000x128xbf16>, vector<5000x128xbf16> -> vector<5000x256xbf16>
    %get3A_81 = arith.constant 0 : index
    %get3A_82 = arith.constant 0 : index
    %get3A_83 = vector.load %arg10[%get3A_81, %get3A_82] : memref<256x128xbf16, #tpu.memory_space<vmem>>, vector<256x128xbf16>
    %dot_general3A_84 = arith.constant dense<0.000000e+00> : vector<5000x128xf32>
    %dot_general3A_85 = tpu.matmul %concatenate3A_80, %get3A_83, %dot_general3A_84 {dimension_numbers = #tpu.dot_dimension_numbers<[1], [0], [0], [1], [0, 0, 1, 1], [], []>, transpose_lhs_hint = false} : vector<5000x256xbf16>, vector<256x128xbf16>, vector<5000x128xf32> -> vector<5000x128xf32>
    %get3A_86 = arith.constant 0 : index
    %get3A_87 = arith.constant 0 : index
    %get3A_88 = vector.load %arg16[%get3A_86, %get3A_87] : memref<1x128xf32, #tpu.memory_space<vmem>>, vector<1x128xf32>
    %add3A_89 = vector.broadcast %get3A_88 : vector<1x128xf32> to vector<5000x128xf32>
    %add3A_90 = arith.addf %dot_general3A_85, %add3A_89 : vector<5000x128xf32>
    %tanh3A_91 = math.tanh %add3A_90 : vector<5000x128xf32>
    %convert_element_type3A_92 = arith.truncf %tanh3A_91 : vector<5000x128xf32> to vector<5000x128xbf16>
    %concatenate3A_93 = tpu.concatenate %convert_element_type3A_92, %convert_element_type3A_41 in 1 : vector<5000x128xbf16>, vector<5000x128xbf16> -> vector<5000x256xbf16>
    %get3A_94 = arith.constant 0 : index
    %get3A_95 = arith.constant 0 : index
    %get3A_96 = vector.load %arg11[%get3A_94, %get3A_95] : memref<256x128xbf16, #tpu.memory_space<vmem>>, vector<256x128xbf16>
    %dot_general3A_97 = arith.constant dense<0.000000e+00> : vector<5000x128xf32>
    %dot_general3A_98 = tpu.matmul %concatenate3A_93, %get3A_96, %dot_general3A_97 {dimension_numbers = #tpu.dot_dimension_numbers<[1], [0], [0], [1], [0, 0, 1, 1], [], []>, transpose_lhs_hint = false} : vector<5000x256xbf16>, vector<256x128xbf16>, vector<5000x128xf32> -> vector<5000x128xf32>
    %get3A_99 = arith.constant 0 : index
    %get3A_100 = arith.constant 0 : index
    %get3A_101 = vector.load %arg17[%get3A_99, %get3A_100] : memref<1x128xf32, #tpu.memory_space<vmem>>, vector<1x128xf32>
    %add3A_102 = vector.broadcast %get3A_101 : vector<1x128xf32> to vector<5000x128xf32>
    %add3A_103 = arith.addf %dot_general3A_98, %add3A_102 : vector<5000x128xf32>
    %tanh3A_104 = math.tanh %add3A_103 : vector<5000x128xf32>
    %convert_element_type3A_105 = arith.truncf %tanh3A_104 : vector<5000x128xf32> to vector<5000x128xbf16>
    %concatenate3A_106 = tpu.concatenate %get3A_1, %convert_element_type3A_105 in 1 : vector<5000x128xbf16>, vector<5000x128xbf16> -> vector<5000x256xbf16>
    %get3A_107 = arith.constant 0 : index
    %get3A_108 = arith.constant 0 : index
    %get3A_109 = vector.load %arg18[%get3A_107, %get3A_108] : memref<256x128xbf16, #tpu.memory_space<vmem>>, vector<256x128xbf16>
    %dot_general3A_110 = arith.constant dense<0.000000e+00> : vector<5000x128xf32>
    %dot_general3A_111 = tpu.matmul %concatenate3A_106, %get3A_109, %dot_general3A_110 {dimension_numbers = #tpu.dot_dimension_numbers<[1], [0], [0], [1], [0, 0, 1, 1], [], []>, transpose_lhs_hint = false} : vector<5000x256xbf16>, vector<256x128xbf16>, vector<5000x128xf32> -> vector<5000x128xf32>
    %get3A_112 = arith.constant 0 : index
    %get3A_113 = arith.constant 0 : index
    %get3A_114 = vector.load %arg23[%get3A_112, %get3A_113] : memref<1x128xf32, #tpu.memory_space<vmem>>, vector<1x128xf32>
    %add3A_115 = vector.broadcast %get3A_114 : vector<1x128xf32> to vector<5000x128xf32>
    %add3A_116 = arith.addf %dot_general3A_111, %add3A_115 : vector<5000x128xf32>
    %tanh3A_117 = math.tanh %add3A_116 : vector<5000x128xf32>
    %convert_element_type3A_118 = arith.truncf %tanh3A_117 : vector<5000x128xf32> to vector<5000x128xbf16>
    %concatenate3A_119 = tpu.concatenate %convert_element_type3A_118, %get3A_1 in 1 : vector<5000x128xbf16>, vector<5000x128xbf16> -> vector<5000x256xbf16>
    %get3A_120 = arith.constant 0 : index
    %get3A_121 = arith.constant 0 : index
    %get3A_122 = vector.load %arg19[%get3A_120, %get3A_121] : memref<256x128xbf16, #tpu.memory_space<vmem>>, vector<256x128xbf16>
    %dot_general3A_123 = arith.constant dense<0.000000e+00> : vector<5000x128xf32>
    %dot_general3A_124 = tpu.matmul %concatenate3A_119, %get3A_122, %dot_general3A_123 {dimension_numbers = #tpu.dot_dimension_numbers<[1], [0], [0], [1], [0, 0, 1, 1], [], []>, transpose_lhs_hint = false} : vector<5000x256xbf16>, vector<256x128xbf16>, vector<5000x128xf32> -> vector<5000x128xf32>
    %get3A_125 = arith.constant 0 : index
    %get3A_126 = arith.constant 0 : index
    %get3A_127 = vector.load %arg24[%get3A_125, %get3A_126] : memref<1x128xf32, #tpu.memory_space<vmem>>, vector<1x128xf32>
    %add3A_128 = vector.broadcast %get3A_127 : vector<1x128xf32> to vector<5000x128xf32>
    %add3A_129 = arith.addf %dot_general3A_124, %add3A_128 : vector<5000x128xf32>
    %tanh3A_130 = math.tanh %add3A_129 : vector<5000x128xf32>
    %convert_element_type3A_131 = arith.truncf %tanh3A_130 : vector<5000x128xf32> to vector<5000x128xbf16>
    %concatenate3A_132 = tpu.concatenate %convert_element_type3A_131, %get3A_1 in 1 : vector<5000x128xbf16>, vector<5000x128xbf16> -> vector<5000x256xbf16>
    %get3A_133 = arith.constant 0 : index
    %get3A_134 = arith.constant 0 : index
    %get3A_135 = vector.load %arg20[%get3A_133, %get3A_134] : memref<256x128xbf16, #tpu.memory_space<vmem>>, vector<256x128xbf16>
    %dot_general3A_136 = arith.constant dense<0.000000e+00> : vector<5000x128xf32>
    %dot_general3A_137 = tpu.matmul %concatenate3A_132, %get3A_135, %dot_general3A_136 {dimension_numbers = #tpu.dot_dimension_numbers<[1], [0], [0], [1], [0, 0, 1, 1], [], []>, transpose_lhs_hint = false} : vector<5000x256xbf16>, vector<256x128xbf16>, vector<5000x128xf32> -> vector<5000x128xf32>
    %get3A_138 = arith.constant 0 : index
    %get3A_139 = arith.constant 0 : index
    %get3A_140 = vector.load %arg25[%get3A_138, %get3A_139] : memref<1x128xf32, #tpu.memory_space<vmem>>, vector<1x128xf32>
    %add3A_141 = vector.broadcast %get3A_140 : vector<1x128xf32> to vector<5000x128xf32>
    %add3A_142 = arith.addf %dot_general3A_137, %add3A_141 : vector<5000x128xf32>
    %tanh3A_143 = math.tanh %add3A_142 : vector<5000x128xf32>
    %convert_element_type3A_144 = arith.truncf %tanh3A_143 : vector<5000x128xf32> to vector<5000x128xbf16>
    %concatenate3A_145 = tpu.concatenate %convert_element_type3A_144, %get3A_1 in 1 : vector<5000x128xbf16>, vector<5000x128xbf16> -> vector<5000x256xbf16>
    %get3A_146 = arith.constant 0 : index
    %get3A_147 = arith.constant 0 : index
    %get3A_148 = vector.load %arg21[%get3A_146, %get3A_147] : memref<256x128xbf16, #tpu.memory_space<vmem>>, vector<256x128xbf16>
    %dot_general3A_149 = arith.constant dense<0.000000e+00> : vector<5000x128xf32>
    %dot_general3A_150 = tpu.matmul %concatenate3A_145, %get3A_148, %dot_general3A_149 {dimension_numbers = #tpu.dot_dimension_numbers<[1], [0], [0], [1], [0, 0, 1, 1], [], []>, transpose_lhs_hint = false} : vector<5000x256xbf16>, vector<256x128xbf16>, vector<5000x128xf32> -> vector<5000x128xf32>
    %get3A_151 = arith.constant 0 : index
    %get3A_152 = arith.constant 0 : index
    %get3A_153 = vector.load %arg26[%get3A_151, %get3A_152] : memref<1x128xf32, #tpu.memory_space<vmem>>, vector<1x128xf32>
    %add3A_154 = vector.broadcast %get3A_153 : vector<1x128xf32> to vector<5000x128xf32>
    %add3A_155 = arith.addf %dot_general3A_150, %add3A_154 : vector<5000x128xf32>
    %tanh3A_156 = math.tanh %add3A_155 : vector<5000x128xf32>
    %convert_element_type3A_157 = arith.truncf %tanh3A_156 : vector<5000x128xf32> to vector<5000x128xbf16>
    %concatenate3A_158 = tpu.concatenate %convert_element_type3A_157, %get3A_1 in 1 : vector<5000x128xbf16>, vector<5000x128xbf16> -> vector<5000x256xbf16>
    %get3A_159 = arith.constant 0 : index
    %get3A_160 = arith.constant 0 : index
    %get3A_161 = vector.load %arg22[%get3A_159, %get3A_160] : memref<256x128xbf16, #tpu.memory_space<vmem>>, vector<256x128xbf16>
    %dot_general3A_162 = arith.constant dense<0.000000e+00> : vector<5000x128xf32>
    %dot_general3A_163 = tpu.matmul %concatenate3A_158, %get3A_161, %dot_general3A_162 {dimension_numbers = #tpu.dot_dimension_numbers<[1], [0], [0], [1], [0, 0, 1, 1], [], []>, transpose_lhs_hint = false} : vector<5000x256xbf16>, vector<256x128xbf16>, vector<5000x128xf32> -> vector<5000x128xf32>
    %get3A_164 = arith.constant 0 : index
    %get3A_165 = arith.constant 0 : index
    %get3A_166 = vector.load %arg27[%get3A_164, %get3A_165] : memref<1x128xf32, #tpu.memory_space<vmem>>, vector<1x128xf32>
    %add3A_167 = vector.broadcast %get3A_166 : vector<1x128xf32> to vector<5000x128xf32>
    %add3A_168 = arith.addf %dot_general3A_163, %add3A_167 : vector<5000x128xf32>
    %tanh3A_169 = math.tanh %add3A_168 : vector<5000x128xf32>
    %swap3A = arith.constant 0 : index
    %swap3A_170 = arith.constant 0 : index
    %swap3A_171 = vector.load %arg29[%swap3A, %swap3A_170] : memref<5000x128xf32, #tpu.memory_space<vmem>>, vector<5000x128xf32>
    tpu.vector_store %arg29[%swap3A, %swap3A_170], %tanh3A_169 {strides = array<i32>} : memref<5000x128xf32, #tpu.memory_space<vmem>>, vector<5000x128xf32>,
    return
  }
  func.func @transform_0(%arg0: i32) -> (i32, i32) {
    %c0_i32 = arith.constant 0 : i32
    %c0_i32_0 = arith.constant 0 : i32
    return %arg0, %c0_i32 : i32, i32
  }
  func.func @transform_1(%arg0: i32) -> (i32, i32) {
    %add3A = arith.constant 10 : i32
    %add3A_0 = arith.addi %arg0, %add3A : i32
    %c0_i32 = arith.constant 0 : i32
    %c0_i32_1 = arith.constant 0 : i32
    return %add3A_0, %c0_i32 : i32, i32
  }
  func.func @transform_2(%arg0: i32) -> (i32, i32) {
    %add3A = arith.constant 10 : i32
    %add3A_0 = arith.addi %arg0, %add3A : i32
    %c0_i32 = arith.constant 0 : i32
    %c0_i32_1 = arith.constant 0 : i32
    return %add3A_0, %c0_i32 : i32, i32
  }
  func.func @transform_3(%arg0: i32) -> (i32, i32) {
    %c0_i32 = arith.constant 0 : i32
    %c0_i32_0 = arith.constant 0 : i32
    %c0_i32_1 = arith.constant 0 : i32
    return %c0_i32, %c0_i32_0 : i32, i32
  }
  func.func @transform_4(%arg0: i32) -> (i32, i32) {
    %c0_i32 = arith.constant 0 : i32
    %c0_i32_0 = arith.constant 0 : i32
    %c0_i32_1 = arith.constant 0 : i32
    return %c0_i32, %c0_i32_0 : i32, i32
  }
  func.func @transform_5(%arg0: i32) -> (i32, i32) {
    %c0_i32 = arith.constant 0 : i32
    %c0_i32_0 = arith.constant 0 : i32
    %c0_i32_1 = arith.constant 0 : i32
    return %c0_i32, %c0_i32_0 : i32, i32
  }
  func.func @transform_6(%arg0: i32) -> (i32, i32) {
    %c0_i32 = arith.constant 0 : i32
    %c0_i32_0 = arith.constant 0 : i32
    %c0_i32_1 = arith.constant 0 : i32
    return %c0_i32, %c0_i32_0 : i32, i32
  }
  func.func @transform_7(%arg0: i32) -> (i32, i32) {
    %c0_i32 = arith.constant 0 : i32
    %c0_i32_0 = arith.constant 0 : i32
    %c0_i32_1 = arith.constant 0 : i32
    return %c0_i32, %c0_i32_0 : i32, i32
  }
  func.func @transform_8(%arg0: i32) -> (i32, i32) {
    %c0_i32 = arith.constant 0 : i32
    %c0_i32_0 = arith.constant 0 : i32
    %c0_i32_1 = arith.constant 0 : i32
    return %c0_i32, %c0_i32_0 : i32, i32
  }
  func.func @transform_9(%arg0: i32) -> (i32, i32) {
    %c0_i32 = arith.constant 0 : i32
    %c0_i32_0 = arith.constant 0 : i32
    %c0_i32_1 = arith.constant 0 : i32
    return %c0_i32, %c0_i32_0 : i32, i32
  }
  func.func @transform_10(%arg0: i32) -> (i32, i32) {
    %c0_i32 = arith.constant 0 : i32
    %c0_i32_0 = arith.constant 0 : i32
    %c0_i32_1 = arith.constant 0 : i32
    return %c0_i32, %c0_i32_0 : i32, i32
  }
  func.func @transform_11(%arg0: i32) -> (i32, i32) {
    %c0_i32 = arith.constant 0 : i32
    %c0_i32_0 = arith.constant 0 : i32
    %c0_i32_1 = arith.constant 0 : i32
    return %c0_i32, %c0_i32_0 : i32, i32
  }
  func.func @transform_12(%arg0: i32) -> (i32, i32) {
    %c0_i32 = arith.constant 0 : i32
    %c0_i32_0 = arith.constant 0 : i32
    %c0_i32_1 = arith.constant 0 : i32
    return %c0_i32, %c0_i32_0 : i32, i32
  }
  func.func @transform_13(%arg0: i32) -> (i32, i32) {
    %c0_i32 = arith.constant 0 : i32
    %c0_i32_0 = arith.constant 0 : i32
    %c0_i32_1 = arith.constant 0 : i32
    return %c0_i32, %c0_i32_0 : i32, i32
  }
  func.func @transform_14(%arg0: i32) -> (i32, i32) {
    %c0_i32 = arith.constant 0 : i32
    %c0_i32_0 = arith.constant 0 : i32
    %c0_i32_1 = arith.constant 0 : i32
    return %c0_i32, %c0_i32_0 : i32, i32
  }
  func.func @transform_15(%arg0: i32) -> (i32, i32) {
    %c0_i32 = arith.constant 0 : i32
    %c0_i32_0 = arith.constant 0 : i32
    %c0_i32_1 = arith.constant 0 : i32
    return %c0_i32, %c0_i32_0 : i32, i32
  }
  func.func @transform_16(%arg0: i32) -> (i32, i32) {
    %c0_i32 = arith.constant 0 : i32
    %c0_i32_0 = arith.constant 0 : i32
    %c0_i32_1 = arith.constant 0 : i32
    return %c0_i32, %c0_i32_0 : i32, i32
  }
  func.func @transform_17(%arg0: i32) -> (i32, i32) {
    %c0_i32 = arith.constant 0 : i32
    %c0_i32_0 = arith.constant 0 : i32
    %c0_i32_1 = arith.constant 0 : i32
    return %c0_i32, %c0_i32_0 : i32, i32
  }
  func.func @transform_18(%arg0: i32) -> (i32, i32) {
    %c0_i32 = arith.constant 0 : i32
    %c0_i32_0 = arith.constant 0 : i32
    %c0_i32_1 = arith.constant 0 : i32
    return %c0_i32, %c0_i32_0 : i32, i32
  }
  func.func @transform_19(%arg0: i32) -> (i32, i32) {
    %c0_i32 = arith.constant 0 : i32
    %c0_i32_0 = arith.constant 0 : i32
    %c0_i32_1 = arith.constant 0 : i32
    return %c0_i32, %c0_i32_0 : i32, i32
  }
  func.func @transform_20(%arg0: i32) -> (i32, i32) {
    %c0_i32 = arith.constant 0 : i32
    %c0_i32_0 = arith.constant 0 : i32
    %c0_i32_1 = arith.constant 0 : i32
    return %c0_i32, %c0_i32_0 : i32, i32
  }
  func.func @transform_21(%arg0: i32) -> (i32, i32) {
    %c0_i32 = arith.constant 0 : i32
    %c0_i32_0 = arith.constant 0 : i32
    %c0_i32_1 = arith.constant 0 : i32
    return %c0_i32, %c0_i32_0 : i32, i32
  }
  func.func @transform_22(%arg0: i32) -> (i32, i32) {
    %c0_i32 = arith.constant 0 : i32
    %c0_i32_0 = arith.constant 0 : i32
    %c0_i32_1 = arith.constant 0 : i32
    return %c0_i32, %c0_i32_0 : i32, i32
  }
  func.func @transform_23(%arg0: i32) -> (i32, i32) {
    %c0_i32 = arith.constant 0 : i32
    %c0_i32_0 = arith.constant 0 : i32
    %c0_i32_1 = arith.constant 0 : i32
    return %c0_i32, %c0_i32_0 : i32, i32
  }
  func.func @transform_24(%arg0: i32) -> (i32, i32) {
    %c0_i32 = arith.constant 0 : i32
    %c0_i32_0 = arith.constant 0 : i32
    %c0_i32_1 = arith.constant 0 : i32
    return %c0_i32, %c0_i32_0 : i32, i32
  }
  func.func @transform_25(%arg0: i32) -> (i32, i32) {
    %c0_i32 = arith.constant 0 : i32
    %c0_i32_0 = arith.constant 0 : i32
    %c0_i32_1 = arith.constant 0 : i32
    return %c0_i32, %c0_i32_0 : i32, i32
  }
  func.func @transform_26(%arg0: i32) -> (i32, i32) {
    %c0_i32 = arith.constant 0 : i32
    %c0_i32_0 = arith.constant 0 : i32
    %c0_i32_1 = arith.constant 0 : i32
    return %c0_i32, %c0_i32_0 : i32, i32
  }
  func.func @transform_28(%arg0: i32) -> (i32, i32) {
    %add3A = arith.constant 10 : i32
    %add3A_0 = arith.addi %arg0, %add3A : i32
    %c0_i32 = arith.constant 0 : i32
    %c0_i32_1 = arith.constant 0 : i32
    return %add3A_0, %c0_i32 : i32, i32
  }
}

module attributes {stable_mosaic.version = 14 : i64} {
  func.func @_chain_u_body(%arg0: i32, %arg1: memref<5000x128xf32, #tpu.memory_space<vmem>>, %arg2: memref<5000x128xbf16, #tpu.memory_space<vmem>>, %arg3: memref<128x128xbf16, #tpu.memory_space<vmem>>, %arg4: memref<1x128xf32, #tpu.memory_space<vmem>>, %arg5: memref<128x128xbf16, #tpu.memory_space<vmem>>, %arg6: memref<128x128xbf16, #tpu.memory_space<vmem>>, %arg7: memref<256x128xbf16, #tpu.memory_space<vmem>>, %arg8: memref<256x128xbf16, #tpu.memory_space<vmem>>, %arg9: memref<256x128xbf16, #tpu.memory_space<vmem>>, %arg10: memref<256x128xbf16, #tpu.memory_space<vmem>>, %arg11: memref<1x128xf32, #tpu.memory_space<vmem>>, %arg12: memref<1x128xf32, #tpu.memory_space<vmem>>, %arg13: memref<1x128xf32, #tpu.memory_space<vmem>>, %arg14: memref<1x128xf32, #tpu.memory_space<vmem>>, %arg15: memref<1x128xf32, #tpu.memory_space<vmem>>, %arg16: memref<1x128xf32, #tpu.memory_space<vmem>>, %arg17: memref<256x128xbf16, #tpu.memory_space<vmem>>, %arg18: memref<256x128xbf16, #tpu.memory_space<vmem>>, %arg19: memref<256x128xbf16, #tpu.memory_space<vmem>>, %arg20: memref<256x128xbf16, #tpu.memory_space<vmem>>, %arg21: memref<256x128xbf16, #tpu.memory_space<vmem>>, %arg22: memref<1x128xf32, #tpu.memory_space<vmem>>, %arg23: memref<1x128xf32, #tpu.memory_space<vmem>>, %arg24: memref<1x128xf32, #tpu.memory_space<vmem>>, %arg25: memref<1x128xf32, #tpu.memory_space<vmem>>, %arg26: memref<1x128xf32, #tpu.memory_space<vmem>>, %arg27: memref<5000x128xf32, #tpu.memory_space<vmem>>) attributes {dimension_semantics = [#tpu.dimension_semantics<arbitrary>], iteration_bounds = array<i64: 10>, scalar_prefetch = 0 : i64, scratch_operands = 0 : i64, tpu.core_type = #tpu.core_type<tc>, window_params = [{transform_indices = @transform_0, window_bounds = array<i64: 5000, 128>}, {transform_indices = @transform_1, window_bounds = array<i64: 5000, 128>}, {pipeline_mode = #tpu.pipeline_mode<synchronous>, transform_indices = @transform_2, window_bounds = array<i64: 128, 128>}, {pipeline_mode = #tpu.pipeline_mode<synchronous>, transform_indices = @transform_3, window_bounds = array<i64: 1, 128>}, {pipeline_mode = #tpu.pipeline_mode<synchronous>, transform_indices = @transform_4, window_bounds = array<i64: 128, 128>}, {pipeline_mode = #tpu.pipeline_mode<synchronous>, transform_indices = @transform_5, window_bounds = array<i64: 128, 128>}, {pipeline_mode = #tpu.pipeline_mode<synchronous>, transform_indices = @transform_6, window_bounds = array<i64: 256, 128>}, {pipeline_mode = #tpu.pipeline_mode<synchronous>, transform_indices = @transform_7, window_bounds = array<i64: 256, 128>}, {pipeline_mode = #tpu.pipeline_mode<synchronous>, transform_indices = @transform_8, window_bounds = array<i64: 256, 128>}, {pipeline_mode = #tpu.pipeline_mode<synchronous>, transform_indices = @transform_9, window_bounds = array<i64: 256, 128>}, {pipeline_mode = #tpu.pipeline_mode<synchronous>, transform_indices = @transform_10, window_bounds = array<i64: 1, 128>}, {pipeline_mode = #tpu.pipeline_mode<synchronous>, transform_indices = @transform_11, window_bounds = array<i64: 1, 128>}, {pipeline_mode = #tpu.pipeline_mode<synchronous>, transform_indices = @transform_12, window_bounds = array<i64: 1, 128>}, {pipeline_mode = #tpu.pipeline_mode<synchronous>, transform_indices = @transform_13, window_bounds = array<i64: 1, 128>}, {pipeline_mode = #tpu.pipeline_mode<synchronous>, transform_indices = @transform_14, window_bounds = array<i64: 1, 128>}, {pipeline_mode = #tpu.pipeline_mode<synchronous>, transform_indices = @transform_15, window_bounds = array<i64: 1, 128>}, {pipeline_mode = #tpu.pipeline_mode<synchronous>, transform_indices = @transform_16, window_bounds = array<i64: 256, 128>}, {pipeline_mode = #tpu.pipeline_mode<synchronous>, transform_indices = @transform_17, window_bounds = array<i64: 256, 128>}, {pipeline_mode = #tpu.pipeline_mode<synchronous>, transform_indices = @transform_18, window_bounds = array<i64: 256, 128>}, {pipeline_mode = #tpu.pipeline_mode<synchronous>, transform_indices = @transform_19, window_bounds = array<i64: 256, 128>}, {pipeline_mode = #tpu.pipeline_mode<synchronous>, transform_indices = @transform_20, window_bounds = array<i64: 256, 128>}, {pipeline_mode = #tpu.pipeline_mode<synchronous>, transform_indices = @transform_21, window_bounds = array<i64: 1, 128>}, {pipeline_mode = #tpu.pipeline_mode<synchronous>, transform_indices = @transform_22, window_bounds = array<i64: 1, 128>}, {pipeline_mode = #tpu.pipeline_mode<synchronous>, transform_indices = @transform_23, window_bounds = array<i64: 1, 128>}, {pipeline_mode = #tpu.pipeline_mode<synchronous>, transform_indices = @transform_24, window_bounds = array<i64: 1, 128>}, {pipeline_mode = #tpu.pipeline_mode<synchronous>, transform_indices = @transform_25, window_bounds = array<i64: 1, 128>}, {transform_indices = @transform_26, window_bounds = array<i64: 5000, 128>}]} {
    %get3A = arith.constant 0 : index
    %get3A_0 = arith.constant 0 : index
    %get3A_1 = vector.load %arg2[%get3A, %get3A_0] : memref<5000x128xbf16, #tpu.memory_space<vmem>>, vector<5000x128xbf16>
    %get3A_2 = arith.constant 0 : index
    %get3A_3 = arith.constant 0 : index
    %get3A_4 = vector.load %arg1[%get3A_2, %get3A_3] : memref<5000x128xf32, #tpu.memory_space<vmem>>, vector<5000x128xf32>
    %convert_element_type3A = arith.truncf %get3A_4 : vector<5000x128xf32> to vector<5000x128xbf16>
    %get3A_5 = arith.constant 0 : index
    %get3A_6 = arith.constant 0 : index
    %get3A_7 = vector.load %arg3[%get3A_5, %get3A_6] : memref<128x128xbf16, #tpu.memory_space<vmem>>, vector<128x128xbf16>
    %dot_general3A = arith.constant dense<0.000000e+00> : vector<5000x128xf32>
    %dot_general3A_8 = tpu.matmul %convert_element_type3A, %get3A_7, %dot_general3A {dimension_numbers = #tpu.dot_dimension_numbers<[1], [0], [0], [1], [0, 0, 1, 1], [], []>, transpose_lhs_hint = false} : vector<5000x128xbf16>, vector<128x128xbf16>, vector<5000x128xf32> -> vector<5000x128xf32>
    %get3A_9 = arith.constant 0 : index
    %get3A_10 = arith.constant 0 : index
    %get3A_11 = vector.load %arg4[%get3A_9, %get3A_10] : memref<1x128xf32, #tpu.memory_space<vmem>>, vector<1x128xf32>
    %add3A = vector.broadcast %get3A_11 : vector<1x128xf32> to vector<5000x128xf32>
    %add3A_12 = arith.addf %dot_general3A_8, %add3A : vector<5000x128xf32>
    %tanh3A = math.tanh %add3A_12 : vector<5000x128xf32>
    %convert_element_type3A_13 = arith.truncf %tanh3A : vector<5000x128xf32> to vector<5000x128xbf16>
    %get3A_14 = arith.constant 0 : index
    %get3A_15 = arith.constant 0 : index
    %get3A_16 = vector.load %arg5[%get3A_14, %get3A_15] : memref<128x128xbf16, #tpu.memory_space<vmem>>, vector<128x128xbf16>
    %dot_general3A_17 = arith.constant dense<0.000000e+00> : vector<5000x128xf32>
    %dot_general3A_18 = tpu.matmul %convert_element_type3A_13, %get3A_16, %dot_general3A_17 {dimension_numbers = #tpu.dot_dimension_numbers<[1], [0], [0], [1], [0, 0, 1, 1], [], []>, transpose_lhs_hint = false} : vector<5000x128xbf16>, vector<128x128xbf16>, vector<5000x128xf32> -> vector<5000x128xf32>
    %get3A_19 = arith.constant 0 : index
    %get3A_20 = arith.constant 0 : index
    %get3A_21 = vector.load %arg11[%get3A_19, %get3A_20] : memref<1x128xf32, #tpu.memory_space<vmem>>, vector<1x128xf32>
    %add3A_22 = vector.broadcast %get3A_21 : vector<1x128xf32> to vector<5000x128xf32>
    %add3A_23 = arith.addf %dot_general3A_18, %add3A_22 : vector<5000x128xf32>
    %tanh3A_24 = math.tanh %add3A_23 : vector<5000x128xf32>
    %convert_element_type3A_25 = arith.truncf %tanh3A_24 : vector<5000x128xf32> to vector<5000x128xbf16>
    %get3A_26 = arith.constant 0 : index
    %get3A_27 = arith.constant 0 : index
    %get3A_28 = vector.load %arg6[%get3A_26, %get3A_27] : memref<128x128xbf16, #tpu.memory_space<vmem>>, vector<128x128xbf16>
    %dot_general3A_29 = arith.constant dense<0.000000e+00> : vector<5000x128xf32>
    %dot_general3A_30 = tpu.matmul %convert_element_type3A_25, %get3A_28, %dot_general3A_29 {dimension_numbers = #tpu.dot_dimension_numbers<[1], [0], [0], [1], [0, 0, 1, 1], [], []>, transpose_lhs_hint = false} : vector<5000x128xbf16>, vector<128x128xbf16>, vector<5000x128xf32> -> vector<5000x128xf32>
    %get3A_31 = arith.constant 0 : index
    %get3A_32 = arith.constant 0 : index
    %get3A_33 = vector.load %arg12[%get3A_31, %get3A_32] : memref<1x128xf32, #tpu.memory_space<vmem>>, vector<1x128xf32>
    %add3A_34 = vector.broadcast %get3A_33 : vector<1x128xf32> to vector<5000x128xf32>
    %add3A_35 = arith.addf %dot_general3A_30, %add3A_34 : vector<5000x128xf32>
    %tanh3A_36 = math.tanh %add3A_35 : vector<5000x128xf32>
    %convert_element_type3A_37 = arith.truncf %tanh3A_36 : vector<5000x128xf32> to vector<5000x128xbf16>
    %concatenate3A = tpu.concatenate %convert_element_type3A_37, %convert_element_type3A_25 in 1 : vector<5000x128xbf16>, vector<5000x128xbf16> -> vector<5000x256xbf16>
    %get3A_38 = arith.constant 0 : index
    %get3A_39 = arith.constant 0 : index
    %get3A_40 = vector.load %arg7[%get3A_38, %get3A_39] : memref<256x128xbf16, #tpu.memory_space<vmem>>, vector<256x128xbf16>
    %dot_general3A_41 = arith.constant dense<0.000000e+00> : vector<5000x128xf32>
    %dot_general3A_42 = tpu.matmul %concatenate3A, %get3A_40, %dot_general3A_41 {dimension_numbers = #tpu.dot_dimension_numbers<[1], [0], [0], [1], [0, 0, 1, 1], [], []>, transpose_lhs_hint = false} : vector<5000x256xbf16>, vector<256x128xbf16>, vector<5000x128xf32> -> vector<5000x128xf32>
    %get3A_43 = arith.constant 0 : index
    %get3A_44 = arith.constant 0 : index
    %get3A_45 = vector.load %arg13[%get3A_43, %get3A_44] : memref<1x128xf32, #tpu.memory_space<vmem>>, vector<1x128xf32>
    %add3A_46 = vector.broadcast %get3A_45 : vector<1x128xf32> to vector<5000x128xf32>
    %add3A_47 = arith.addf %dot_general3A_42, %add3A_46 : vector<5000x128xf32>
    %tanh3A_48 = math.tanh %add3A_47 : vector<5000x128xf32>
    %convert_element_type3A_49 = arith.truncf %tanh3A_48 : vector<5000x128xf32> to vector<5000x128xbf16>
    %concatenate3A_50 = tpu.concatenate %convert_element_type3A_49, %convert_element_type3A_25 in 1 : vector<5000x128xbf16>, vector<5000x128xbf16> -> vector<5000x256xbf16>
    %get3A_51 = arith.constant 0 : index
    %get3A_52 = arith.constant 0 : index
    %get3A_53 = vector.load %arg8[%get3A_51, %get3A_52] : memref<256x128xbf16, #tpu.memory_space<vmem>>, vector<256x128xbf16>
    %dot_general3A_54 = arith.constant dense<0.000000e+00> : vector<5000x128xf32>
    %dot_general3A_55 = tpu.matmul %concatenate3A_50, %get3A_53, %dot_general3A_54 {dimension_numbers = #tpu.dot_dimension_numbers<[1], [0], [0], [1], [0, 0, 1, 1], [], []>, transpose_lhs_hint = false} : vector<5000x256xbf16>, vector<256x128xbf16>, vector<5000x128xf32> -> vector<5000x128xf32>
    %get3A_56 = arith.constant 0 : index
    %get3A_57 = arith.constant 0 : index
    %get3A_58 = vector.load %arg14[%get3A_56, %get3A_57] : memref<1x128xf32, #tpu.memory_space<vmem>>, vector<1x128xf32>
    %add3A_59 = vector.broadcast %get3A_58 : vector<1x128xf32> to vector<5000x128xf32>
    %add3A_60 = arith.addf %dot_general3A_55, %add3A_59 : vector<5000x128xf32>
    %tanh3A_61 = math.tanh %add3A_60 : vector<5000x128xf32>
    %convert_element_type3A_62 = arith.truncf %tanh3A_61 : vector<5000x128xf32> to vector<5000x128xbf16>
    %concatenate3A_63 = tpu.concatenate %convert_element_type3A_62, %convert_element_type3A_25 in 1 : vector<5000x128xbf16>, vector<5000x128xbf16> -> vector<5000x256xbf16>
    %get3A_64 = arith.constant 0 : index
    %get3A_65 = arith.constant 0 : index
    %get3A_66 = vector.load %arg9[%get3A_64, %get3A_65] : memref<256x128xbf16, #tpu.memory_space<vmem>>, vector<256x128xbf16>
    %dot_general3A_67 = arith.constant dense<0.000000e+00> : vector<5000x128xf32>
    %dot_general3A_68 = tpu.matmul %concatenate3A_63, %get3A_66, %dot_general3A_67 {dimension_numbers = #tpu.dot_dimension_numbers<[1], [0], [0], [1], [0, 0, 1, 1], [], []>, transpose_lhs_hint = false} : vector<5000x256xbf16>, vector<256x128xbf16>, vector<5000x128xf32> -> vector<5000x128xf32>
    %get3A_69 = arith.constant 0 : index
    %get3A_70 = arith.constant 0 : index
    %get3A_71 = vector.load %arg15[%get3A_69, %get3A_70] : memref<1x128xf32, #tpu.memory_space<vmem>>, vector<1x128xf32>
    %add3A_72 = vector.broadcast %get3A_71 : vector<1x128xf32> to vector<5000x128xf32>
    %add3A_73 = arith.addf %dot_general3A_68, %add3A_72 : vector<5000x128xf32>
    %tanh3A_74 = math.tanh %add3A_73 : vector<5000x128xf32>
    %convert_element_type3A_75 = arith.truncf %tanh3A_74 : vector<5000x128xf32> to vector<5000x128xbf16>
    %concatenate3A_76 = tpu.concatenate %convert_element_type3A_75, %convert_element_type3A_25 in 1 : vector<5000x128xbf16>, vector<5000x128xbf16> -> vector<5000x256xbf16>
    %get3A_77 = arith.constant 0 : index
    %get3A_78 = arith.constant 0 : index
    %get3A_79 = vector.load %arg10[%get3A_77, %get3A_78] : memref<256x128xbf16, #tpu.memory_space<vmem>>, vector<256x128xbf16>
    %dot_general3A_80 = arith.constant dense<0.000000e+00> : vector<5000x128xf32>
    %dot_general3A_81 = tpu.matmul %concatenate3A_76, %get3A_79, %dot_general3A_80 {dimension_numbers = #tpu.dot_dimension_numbers<[1], [0], [0], [1], [0, 0, 1, 1], [], []>, transpose_lhs_hint = false} : vector<5000x256xbf16>, vector<256x128xbf16>, vector<5000x128xf32> -> vector<5000x128xf32>
    %get3A_82 = arith.constant 0 : index
    %get3A_83 = arith.constant 0 : index
    %get3A_84 = vector.load %arg16[%get3A_82, %get3A_83] : memref<1x128xf32, #tpu.memory_space<vmem>>, vector<1x128xf32>
    %add3A_85 = vector.broadcast %get3A_84 : vector<1x128xf32> to vector<5000x128xf32>
    %add3A_86 = arith.addf %dot_general3A_81, %add3A_85 : vector<5000x128xf32>
    %tanh3A_87 = math.tanh %add3A_86 : vector<5000x128xf32>
    %convert_element_type3A_88 = arith.truncf %tanh3A_87 : vector<5000x128xf32> to vector<5000x128xbf16>
    %concatenate3A_89 = tpu.concatenate %get3A_1, %convert_element_type3A_88 in 1 : vector<5000x128xbf16>, vector<5000x128xbf16> -> vector<5000x256xbf16>
    %get3A_90 = arith.constant 0 : index
    %get3A_91 = arith.constant 0 : index
    %get3A_92 = vector.load %arg17[%get3A_90, %get3A_91] : memref<256x128xbf16, #tpu.memory_space<vmem>>, vector<256x128xbf16>
    %dot_general3A_93 = arith.constant dense<0.000000e+00> : vector<5000x128xf32>
    %dot_general3A_94 = tpu.matmul %concatenate3A_89, %get3A_92, %dot_general3A_93 {dimension_numbers = #tpu.dot_dimension_numbers<[1], [0], [0], [1], [0, 0, 1, 1], [], []>, transpose_lhs_hint = false} : vector<5000x256xbf16>, vector<256x128xbf16>, vector<5000x128xf32> -> vector<5000x128xf32>
    %get3A_95 = arith.constant 0 : index
    %get3A_96 = arith.constant 0 : index
    %get3A_97 = vector.load %arg22[%get3A_95, %get3A_96] : memref<1x128xf32, #tpu.memory_space<vmem>>, vector<1x128xf32>
    %add3A_98 = vector.broadcast %get3A_97 : vector<1x128xf32> to vector<5000x128xf32>
    %add3A_99 = arith.addf %dot_general3A_94, %add3A_98 : vector<5000x128xf32>
    %tanh3A_100 = math.tanh %add3A_99 : vector<5000x128xf32>
    %convert_element_type3A_101 = arith.truncf %tanh3A_100 : vector<5000x128xf32> to vector<5000x128xbf16>
    %concatenate3A_102 = tpu.concatenate %convert_element_type3A_101, %get3A_1 in 1 : vector<5000x128xbf16>, vector<5000x128xbf16> -> vector<5000x256xbf16>
    %get3A_103 = arith.constant 0 : index
    %get3A_104 = arith.constant 0 : index
    %get3A_105 = vector.load %arg18[%get3A_103, %get3A_104] : memref<256x128xbf16, #tpu.memory_space<vmem>>, vector<256x128xbf16>
    %dot_general3A_106 = arith.constant dense<0.000000e+00> : vector<5000x128xf32>
    %dot_general3A_107 = tpu.matmul %concatenate3A_102, %get3A_105, %dot_general3A_106 {dimension_numbers = #tpu.dot_dimension_numbers<[1], [0], [0], [1], [0, 0, 1, 1], [], []>, transpose_lhs_hint = false} : vector<5000x256xbf16>, vector<256x128xbf16>, vector<5000x128xf32> -> vector<5000x128xf32>
    %get3A_108 = arith.constant 0 : index
    %get3A_109 = arith.constant 0 : index
    %get3A_110 = vector.load %arg23[%get3A_108, %get3A_109] : memref<1x128xf32, #tpu.memory_space<vmem>>, vector<1x128xf32>
    %add3A_111 = vector.broadcast %get3A_110 : vector<1x128xf32> to vector<5000x128xf32>
    %add3A_112 = arith.addf %dot_general3A_107, %add3A_111 : vector<5000x128xf32>
    %tanh3A_113 = math.tanh %add3A_112 : vector<5000x128xf32>
    %convert_element_type3A_114 = arith.truncf %tanh3A_113 : vector<5000x128xf32> to vector<5000x128xbf16>
    %concatenate3A_115 = tpu.concatenate %convert_element_type3A_114, %get3A_1 in 1 : vector<5000x128xbf16>, vector<5000x128xbf16> -> vector<5000x256xbf16>
    %get3A_116 = arith.constant 0 : index
    %get3A_117 = arith.constant 0 : index
    %get3A_118 = vector.load %arg19[%get3A_116, %get3A_117] : memref<256x128xbf16, #tpu.memory_space<vmem>>, vector<256x128xbf16>
    %dot_general3A_119 = arith.constant dense<0.000000e+00> : vector<5000x128xf32>
    %dot_general3A_120 = tpu.matmul %concatenate3A_115, %get3A_118, %dot_general3A_119 {dimension_numbers = #tpu.dot_dimension_numbers<[1], [0], [0], [1], [0, 0, 1, 1], [], []>, transpose_lhs_hint = false} : vector<5000x256xbf16>, vector<256x128xbf16>, vector<5000x128xf32> -> vector<5000x128xf32>
    %get3A_121 = arith.constant 0 : index
    %get3A_122 = arith.constant 0 : index
    %get3A_123 = vector.load %arg24[%get3A_121, %get3A_122] : memref<1x128xf32, #tpu.memory_space<vmem>>, vector<1x128xf32>
    %add3A_124 = vector.broadcast %get3A_123 : vector<1x128xf32> to vector<5000x128xf32>
    %add3A_125 = arith.addf %dot_general3A_120, %add3A_124 : vector<5000x128xf32>
    %tanh3A_126 = math.tanh %add3A_125 : vector<5000x128xf32>
    %convert_element_type3A_127 = arith.truncf %tanh3A_126 : vector<5000x128xf32> to vector<5000x128xbf16>
    %concatenate3A_128 = tpu.concatenate %convert_element_type3A_127, %get3A_1 in 1 : vector<5000x128xbf16>, vector<5000x128xbf16> -> vector<5000x256xbf16>
    %get3A_129 = arith.constant 0 : index
    %get3A_130 = arith.constant 0 : index
    %get3A_131 = vector.load %arg20[%get3A_129, %get3A_130] : memref<256x128xbf16, #tpu.memory_space<vmem>>, vector<256x128xbf16>
    %dot_general3A_132 = arith.constant dense<0.000000e+00> : vector<5000x128xf32>
    %dot_general3A_133 = tpu.matmul %concatenate3A_128, %get3A_131, %dot_general3A_132 {dimension_numbers = #tpu.dot_dimension_numbers<[1], [0], [0], [1], [0, 0, 1, 1], [], []>, transpose_lhs_hint = false} : vector<5000x256xbf16>, vector<256x128xbf16>, vector<5000x128xf32> -> vector<5000x128xf32>
    %get3A_134 = arith.constant 0 : index
    %get3A_135 = arith.constant 0 : index
    %get3A_136 = vector.load %arg25[%get3A_134, %get3A_135] : memref<1x128xf32, #tpu.memory_space<vmem>>, vector<1x128xf32>
    %add3A_137 = vector.broadcast %get3A_136 : vector<1x128xf32> to vector<5000x128xf32>
    %add3A_138 = arith.addf %dot_general3A_133, %add3A_137 : vector<5000x128xf32>
    %tanh3A_139 = math.tanh %add3A_138 : vector<5000x128xf32>
    %convert_element_type3A_140 = arith.truncf %tanh3A_139 : vector<5000x128xf32> to vector<5000x128xbf16>
    %concatenate3A_141 = tpu.concatenate %convert_element_type3A_140, %get3A_1 in 1 : vector<5000x128xbf16>, vector<5000x128xbf16> -> vector<5000x256xbf16>
    %get3A_142 = arith.constant 0 : index
    %get3A_143 = arith.constant 0 : index
    %get3A_144 = vector.load %arg21[%get3A_142, %get3A_143] : memref<256x128xbf16, #tpu.memory_space<vmem>>, vector<256x128xbf16>
    %dot_general3A_145 = arith.constant dense<0.000000e+00> : vector<5000x128xf32>
    %dot_general3A_146 = tpu.matmul %concatenate3A_141, %get3A_144, %dot_general3A_145 {dimension_numbers = #tpu.dot_dimension_numbers<[1], [0], [0], [1], [0, 0, 1, 1], [], []>, transpose_lhs_hint = false} : vector<5000x256xbf16>, vector<256x128xbf16>, vector<5000x128xf32> -> vector<5000x128xf32>
    %get3A_147 = arith.constant 0 : index
    %get3A_148 = arith.constant 0 : index
    %get3A_149 = vector.load %arg26[%get3A_147, %get3A_148] : memref<1x128xf32, #tpu.memory_space<vmem>>, vector<1x128xf32>
    %add3A_150 = vector.broadcast %get3A_149 : vector<1x128xf32> to vector<5000x128xf32>
    %add3A_151 = arith.addf %dot_general3A_146, %add3A_150 : vector<5000x128xf32>
    %tanh3A_152 = math.tanh %add3A_151 : vector<5000x128xf32>
    %swap3A = arith.constant 0 : index
    %swap3A_153 = arith.constant 0 : index
    %swap3A_154 = vector.load %arg27[%swap3A, %swap3A_153] : memref<5000x128xf32, #tpu.memory_space<vmem>>, vector<5000x128xf32>
    tpu.vector_store %arg27[%swap3A, %swap3A_153], %tanh3A_152 {strides = array<i32>} : memref<5000x128xf32, #tpu.memory_space<vmem>>, vector<5000x128xf32>,
    return
  }
  func.func @transform_0(%arg0: i32) -> (i32, i32) {
    %c0_i32 = arith.constant 0 : i32
    %c0_i32_0 = arith.constant 0 : i32
    return %arg0, %c0_i32 : i32, i32
  }
  func.func @transform_1(%arg0: i32) -> (i32, i32) {
    %c0_i32 = arith.constant 0 : i32
    %c0_i32_0 = arith.constant 0 : i32
    return %arg0, %c0_i32 : i32, i32
  }
  func.func @transform_2(%arg0: i32) -> (i32, i32) {
    %c0_i32 = arith.constant 0 : i32
    %c0_i32_0 = arith.constant 0 : i32
    %c0_i32_1 = arith.constant 0 : i32
    return %c0_i32, %c0_i32_0 : i32, i32
  }
  func.func @transform_3(%arg0: i32) -> (i32, i32) {
    %c0_i32 = arith.constant 0 : i32
    %c0_i32_0 = arith.constant 0 : i32
    %c0_i32_1 = arith.constant 0 : i32
    return %c0_i32, %c0_i32_0 : i32, i32
  }
  func.func @transform_4(%arg0: i32) -> (i32, i32) {
    %c0_i32 = arith.constant 0 : i32
    %c0_i32_0 = arith.constant 0 : i32
    %c0_i32_1 = arith.constant 0 : i32
    return %c0_i32, %c0_i32_0 : i32, i32
  }
  func.func @transform_5(%arg0: i32) -> (i32, i32) {
    %c0_i32 = arith.constant 0 : i32
    %c0_i32_0 = arith.constant 0 : i32
    %c0_i32_1 = arith.constant 0 : i32
    return %c0_i32, %c0_i32_0 : i32, i32
  }
  func.func @transform_6(%arg0: i32) -> (i32, i32) {
    %c0_i32 = arith.constant 0 : i32
    %c0_i32_0 = arith.constant 0 : i32
    %c0_i32_1 = arith.constant 0 : i32
    return %c0_i32, %c0_i32_0 : i32, i32
  }
  func.func @transform_7(%arg0: i32) -> (i32, i32) {
    %c0_i32 = arith.constant 0 : i32
    %c0_i32_0 = arith.constant 0 : i32
    %c0_i32_1 = arith.constant 0 : i32
    return %c0_i32, %c0_i32_0 : i32, i32
  }
  func.func @transform_8(%arg0: i32) -> (i32, i32) {
    %c0_i32 = arith.constant 0 : i32
    %c0_i32_0 = arith.constant 0 : i32
    %c0_i32_1 = arith.constant 0 : i32
    return %c0_i32, %c0_i32_0 : i32, i32
  }
  func.func @transform_9(%arg0: i32) -> (i32, i32) {
    %c0_i32 = arith.constant 0 : i32
    %c0_i32_0 = arith.constant 0 : i32
    %c0_i32_1 = arith.constant 0 : i32
    return %c0_i32, %c0_i32_0 : i32, i32
  }
  func.func @transform_10(%arg0: i32) -> (i32, i32) {
    %c0_i32 = arith.constant 0 : i32
    %c0_i32_0 = arith.constant 0 : i32
    %c0_i32_1 = arith.constant 0 : i32
    return %c0_i32, %c0_i32_0 : i32, i32
  }
  func.func @transform_11(%arg0: i32) -> (i32, i32) {
    %c0_i32 = arith.constant 0 : i32
    %c0_i32_0 = arith.constant 0 : i32
    %c0_i32_1 = arith.constant 0 : i32
    return %c0_i32, %c0_i32_0 : i32, i32
  }
  func.func @transform_12(%arg0: i32) -> (i32, i32) {
    %c0_i32 = arith.constant 0 : i32
    %c0_i32_0 = arith.constant 0 : i32
    %c0_i32_1 = arith.constant 0 : i32
    return %c0_i32, %c0_i32_0 : i32, i32
  }
  func.func @transform_13(%arg0: i32) -> (i32, i32) {
    %c0_i32 = arith.constant 0 : i32
    %c0_i32_0 = arith.constant 0 : i32
    %c0_i32_1 = arith.constant 0 : i32
    return %c0_i32, %c0_i32_0 : i32, i32
  }
  func.func @transform_14(%arg0: i32) -> (i32, i32) {
    %c0_i32 = arith.constant 0 : i32
    %c0_i32_0 = arith.constant 0 : i32
    %c0_i32_1 = arith.constant 0 : i32
    return %c0_i32, %c0_i32_0 : i32, i32
  }
  func.func @transform_15(%arg0: i32) -> (i32, i32) {
    %c0_i32 = arith.constant 0 : i32
    %c0_i32_0 = arith.constant 0 : i32
    %c0_i32_1 = arith.constant 0 : i32
    return %c0_i32, %c0_i32_0 : i32, i32
  }
  func.func @transform_16(%arg0: i32) -> (i32, i32) {
    %c0_i32 = arith.constant 0 : i32
    %c0_i32_0 = arith.constant 0 : i32
    %c0_i32_1 = arith.constant 0 : i32
    return %c0_i32, %c0_i32_0 : i32, i32
  }
  func.func @transform_17(%arg0: i32) -> (i32, i32) {
    %c0_i32 = arith.constant 0 : i32
    %c0_i32_0 = arith.constant 0 : i32
    %c0_i32_1 = arith.constant 0 : i32
    return %c0_i32, %c0_i32_0 : i32, i32
  }
  func.func @transform_18(%arg0: i32) -> (i32, i32) {
    %c0_i32 = arith.constant 0 : i32
    %c0_i32_0 = arith.constant 0 : i32
    %c0_i32_1 = arith.constant 0 : i32
    return %c0_i32, %c0_i32_0 : i32, i32
  }
  func.func @transform_19(%arg0: i32) -> (i32, i32) {
    %c0_i32 = arith.constant 0 : i32
    %c0_i32_0 = arith.constant 0 : i32
    %c0_i32_1 = arith.constant 0 : i32
    return %c0_i32, %c0_i32_0 : i32, i32
  }
  func.func @transform_20(%arg0: i32) -> (i32, i32) {
    %c0_i32 = arith.constant 0 : i32
    %c0_i32_0 = arith.constant 0 : i32
    %c0_i32_1 = arith.constant 0 : i32
    return %c0_i32, %c0_i32_0 : i32, i32
  }
  func.func @transform_21(%arg0: i32) -> (i32, i32) {
    %c0_i32 = arith.constant 0 : i32
    %c0_i32_0 = arith.constant 0 : i32
    %c0_i32_1 = arith.constant 0 : i32
    return %c0_i32, %c0_i32_0 : i32, i32
  }
  func.func @transform_22(%arg0: i32) -> (i32, i32) {
    %c0_i32 = arith.constant 0 : i32
    %c0_i32_0 = arith.constant 0 : i32
    %c0_i32_1 = arith.constant 0 : i32
    return %c0_i32, %c0_i32_0 : i32, i32
  }
  func.func @transform_23(%arg0: i32) -> (i32, i32) {
    %c0_i32 = arith.constant 0 : i32
    %c0_i32_0 = arith.constant 0 : i32
    %c0_i32_1 = arith.constant 0 : i32
    return %c0_i32, %c0_i32_0 : i32, i32
  }
  func.func @transform_24(%arg0: i32) -> (i32, i32) {
    %c0_i32 = arith.constant 0 : i32
    %c0_i32_0 = arith.constant 0 : i32
    %c0_i32_1 = arith.constant 0 : i32
    return %c0_i32, %c0_i32_0 : i32, i32
  }
  func.func @transform_25(%arg0: i32) -> (i32, i32) {
    %c0_i32 = arith.constant 0 : i32
    %c0_i32_0 = arith.constant 0 : i32
    %c0_i32_1 = arith.constant 0 : i32
    return %c0_i32, %c0_i32_0 : i32, i32
  }
  func.func @transform_26(%arg0: i32) -> (i32, i32) {
    %c0_i32 = arith.constant 0 : i32
    %c0_i32_0 = arith.constant 0 : i32
    return %arg0, %c0_i32 : i32, i32
  }
}

</mosaic_0001>

<sc_bundles>
// kernel: kernel.10.cloned.1.call-start
scs
__scs_entry_jumppad:
0x0: {  	(pc) =	sbr.rel $0x88, $3  }
0x1: {  	(tag) =	ssettag $0x0;
	lr =	simm.s32 $0x1  }
0x2: {  	[smem:$0x3F7A] =	sst lr;
	_ =	strace $0xD0000000  }
0x3: {  	_ = 	snop  }
0x4: {  	_ = 	snop  }
0x5: {  	_ = 	snop  }
0x6: {  	_ = 	snop  }
0x7: {  	_ = 	snop  }
__scs_overlays_trampoline_lowered:
0x8: {  	[smem:$0x3F89] =	sst s0  }
0x9: {  	[smem:$0x3F8A] =	sst s1  }
0xa: {  	[smem:$0x3F8B] =	sst s2  }
0xb: {  	[smem:$0x3F8C] =	sst s3  }
0xc: {  	[smem:$0x3F8D] =	sst s4  }
0xd: {  	[smem:$0x3F8E] =	sst s5  }
0xe: {  	[smem:$0x3F8F] =	sst s6  }
0xf: {  	[smem:$0x3F90] =	sst s7  }
0x10: {  	[smem:$0x3F91] =	sst s8  }
0x11: {  	[smem:$0x3F92] =	sst s9;
	s0 =	simm.s32 @!p0 $0x0  }
0x12: {  	s1 =	sld [smem:$0x3F78];
	s0 =	simm.s32 @p0 $0x1  }
0x13: {  	[smem:$0x3F93] =	sst s0;
	s0 =	simm.s32 @!p1 $0x0  }
0x14: {  	s2 =	sld [smem:$0x3F77];
	s0 =	simm.s32 @p1 $0x1  }
0x15: {  	[smem:$0x3F94] =	sst s0;
	s0 =	simm.s32 @!p2 $0x0  }
0x16: {  	s3 =	sld [smem:$0x3FDB];
	s0 =	simm.s32 @p2 $0x1  }
0x17: {  	s4 =	simm.s32 $0x1BF5;
	[smem:$0x3F96] =	sst s0  }
0x18: {  	s0 =	sld [smem:$0x3F79];
	_ =	swait.ge [sflag:s4], $0x0  }
0x19: {  	s7 =	sld [smem:$0x3F7A]  }
0x1a: {  	s8 =	sadd.s32 $0xFFFFE003, lr  }
0x1b: {  	s9 =	sadd.s32 $0xFFFFFEF7, lr;
	s5 =	simm.s32 $0xFFFFFFFF;
	p2 =	slt.u32 s8, $0xFFFFF086  }
0x1c: {  	p1 =	slt.u32 s9, $0xF7A;
	s5 =	simm.s32 @!p2 $0x0  }
0x1d: {  	s5 =	simm.s32 @p1 $0x1;
	p0 =	seq.s32 s7, s2  }
0x1e: {  	s7 =	smul.u32 @!p0 $0xF7A, s2;
	p2 =	seq.s32 @!p0 s5, $0x0  }
0x1f: {  	s9 =	smul.u32 $0xF7A, s1;
	s8 =	simm.s32 @!p0 $0x1BF5;
	p2 =	por !p2, p0  }
0x20: {  	[sflag:s8] =	ssyncset.s32 @!p0 $0xFFFFF086;
	s6 =	sadd.s32 @!p0 s3, s7;
	s7 =	simm.s32 @!p0 $0x108  }
0x21: {  	s3 =	sadd.s32 s3, s9;
	s6 =	sadd.s32 @!p0 $0x88, s6;
	s7 =	simm.s32 @p2 $0x1082  }
0x22: {  	[simem:s7], [sflag:s8] =	dma.local @!p0 [hbm:s6], $0xF7A  }
0x23: {  	s9 =	sor.u32 $0xD0000000, s2;
	s6 =	simm.s32 $0x108;
	_ =	swait.ge @!p0 [sflag:s8], $0x0  }
0x24: {  	s3 =	sadd.s32 $0x88, s3;
	s6 =	simm.s32 @!p1 $0x1082;
	[sflag:s4] =	ssyncset.s32 $0xFFFFF086  }
0x25: {  	[simem:s6], [sflag:s4] =	dma.local [hbm:s3], $0xF7A  }
0x26: {  	[smem:$0x3F7A] =	sst s1;
	(tag) =	ssettag s2;
	_ =	strace s9  }
0x27: {  	s1 =	sld [smem:$0x3F8A]  }
0x28: {  	s2 =	sld [smem:$0x3F8B]  }
0x29: {  	s4 =	sld [smem:$0x3F8D]  }
0x2a: {  	p0 =	seq.s32 s5, $0x0;
	s5 =	sld [smem:$0x3F8E]  }
0x2b: {  	s6 =	sld [smem:$0x3F8F]  }
0x2c: {  	s7 =	sld [smem:$0x3F90]  }
0x2d: {  	s3 =	simm.s32 $0x108;
	s8 =	sld [smem:$0x3F91]  }
0x2e: {  	s3 =	simm.s32 @!p0 $0x1082;
	s9 =	sld [smem:$0x3F92]  }
0x2f: {  	lr =	sadd.s32 s0, s3;
	s0 =	sld [smem:$0x3F89]  }
0x30: {  	s3 =	sld [smem:$0x3F8C]  }
0x31: {  	[smem:$0x3F95] =	sst s10  }
0x32: {  	s10 =	sld [smem:$0x3F93];
	_ =	sdelay $0x3  }
0x33: {  	p0 =	seq.s32 s10, $0x1;
	s10 =	sld [smem:$0x3F95];
	_ =	sdelay $0x3  }
0x34: {  	[smem:$0x3F95] =	sst s10  }
0x35: {  	s10 =	sld [smem:$0x3F94];
	_ =	sdelay $0x3  }
0x36: {  	p1 =	seq.s32 s10, $0x1;
	s10 =	sld [smem:$0x3F95];
	_ =	sdelay $0x3  }
0x37: {  	[smem:$0x3F95] =	sst s10  }
0x38: {  	s10 =	sld [smem:$0x3F96]  }
0x39: {  	_ = 	snop;
	(pc) =	sbr.ind lr, $3  }
0x3a: {  	_ = 	snop  }
0x3b: {  	_ = 	snop  }
0x3c: {  	p2 =	seq.s32 s10, $0x1;
	s10 =	sld [smem:$0x3F95]  }
0x3d: {  	_ =	shalt  }
0x3e: {  	_ =	shalt  }
0x3f: {  	_ =	shalt  }
0x40: {  	_ =	shalt  }
0x41: {  	_ =	shalt  }
0x42: {  	_ =	shalt  }
0x43: {  	_ =	shalt  }
0x44: {  	_ =	shalt  }
0x45: {  	_ =	shalt  }
0x46: {  	_ =	shalt  }
0x47: {  	_ =	shalt  }
0x48: {  	_ =	shalt  }
0x49: {  	_ =	shalt  }
0x4a: {  	_ =	shalt  }
0x4b: {  	_ =	shalt  }
0x4c: {  	_ =	shalt  }
0x4d: {  	_ =	shalt  }
0x4e: {  	_ =	shalt  }
0x4f: {  	_ =	shalt  }
0x50: {  	_ =	shalt  }
0x51: {  	_ =	shalt  }
0x52: {  	_ =	shalt  }
0x53: {  	_ =	shalt  }
0x54: {  	_ =	shalt  }
0x55: {  	_ =	shalt  }
0x56: {  	_ =	shalt  }
0x57: {  	_ =	shalt  }
0x58: {  	_ =	shalt  }
0x59: {  	_ =	shalt  }
0x5a: {  	_ =	shalt  }
0x5b: {  	_ =	shalt  }
0x5c: {  	_ =	shalt  }
0x5d: {  	_ =	shalt  }
0x5e: {  	_ =	shalt  }
0x5f: {  	_ =	shalt  }
0x60: {  	_ =	shalt  }
0x61: {  	_ =	shalt  }
0x62: {  	_ =	shalt  }
0x63: {  	_ =	shalt  }
0x64: {  	_ =	shalt  }
0x65: {  	_ =	shalt  }
0x66: {  	_ =	shalt  }
0x67: {  	_ =	shalt  }
0x68: {  	_ =	shalt  }
0x69: {  	_ =	shalt  }
0x6a: {  	_ =	shalt  }
0x6b: {  	_ =	shalt  }
0x6c: {  	_ =	shalt  }
0x6d: {  	_ =	shalt  }
0x6e: {  	_ =	shalt  }
0x6f: {  	_ =	shalt  }
0x70: {  	_ =	shalt  }
0x71: {  	_ =	shalt  }
0x72: {  	_ =	shalt  }
0x73: {  	_ =	shalt  }
0x74: {  	_ =	shalt  }
0x75: {  	_ =	shalt  }
0x76: {  	_ =	shalt  }
0x77: {  	_ =	shalt  }
0x78: {  	_ =	shalt  }
0x79: {  	_ =	shalt  }
0x7a: {  	_ =	shalt  }
0x7b: {  	_ =	shalt  }
0x7c: {  	_ =	shalt  }
0x7d: {  	_ =	shalt  }
0x7e: {  	_ =	shalt  }
0x7f: {  	_ =	shalt  }
0x80: {  	_ =	shalt  }
0x81: {  	_ =	shalt  }
0x82: {  	_ =	shalt  }
0x83: {  	_ =	shalt  }
0x84: {  	_ =	shalt  }
0x85: {  	_ =	shalt  }
0x86: {  	_ =	shalt  }
0x87: {  	_ =	shalt  }
.Lfunc_end0:
.L_simem_size_0:
called_computation.1_lowered:
.L_overlay_start_0:
0x88: {  	s2 =	sld [smem:$0x3FD9]  }
0x89: {  	s3 =	sld [smem:$0x3FFE];
	_ =	sdelay $0x1  }
0x8a: {  	s1 =	srdreg.scid  }
0x8b: {  	s0 =	sand.u32 $0x1, s1  }
0x8c: {  	s17 =	sshll.u32 s0, $0xA;
	s2 =	sadd.s32 s3, s2  }
0x8d: {  	s2 =	sadd.s32 s2, s17  }
0x8e: {  	[smem:$0x3FA1] =	sst s2  }
0x8f: {  	_ = 	snop  }
0x90: {  	s18 =	sld [smem:$0x3FC9];
	(tm) =	ssettm $0x1  }
0x91: {  	s19 =	sld [smem:$0x3FFB];
	_ =	sdelay $0x3  }
0x92: {  	_ =	strace s19  }
0x93: {  	s2 =	sld [smem:$0x3FFC];
	_ =	sdelay $0x3  }
0x94: {  	_ =	strace s2  }
0x95: {  	s2 =	sld [smem:$0x3FFD];
	_ =	sdelay $0x3  }
0x96: {  	_ =	strace s2  }
0x97: {  	_ =	strace $0x8FFFFFFF  }
0x98: {  	s20 =	sld [smem:$0x3FDB];
	_ =	sdelay $0x1  }
0x99: {  	s4 =	simm.s32 $_scs_section_size  }
0x9a: {  	s5 =	simm.s32 $_size__tile_overlayer_lowered;
	s6 =	simm.s32 $_tile_overlayer_lowered  }
0x9b: {  	s7 =	simm.s32 $0x1BFF;
	s21 =	sshll.u32 s6, $0x1;
	s4 =	sadd.s32 s4, s20  }
0x9c: {  	s22 =	simm.s32 $0x0;
	s5 =	sshll.u32 s5, $0x1;
	s6 =	sadd.s32 s21, s4  }
0x9d: {  	[timem:s22], [sflag:s7] =	dma.local [hbm:s6], s5  }
0x9e: {  	_ =	swait.ge [sflag:s7], s5  }
0x9f: {  	s5 =	ssub.s32 $0x0, s5;
	[sflag:s7] =	ssyncset.done $0x0  }
0xa0: {  	[sflag:s7] =	ssyncadd.s32 s5;
	_ =	sdelay $0x1  }
0xa1: {  	s23 =	simm.s32 $0x1B8B  }
0xa2: {  	_ =	swait.ge [sflag:s23], $0x1  }
0xa3: {  	[sflag:s23] =	ssyncset.done $0x0  }
0xa4: {  	[sflag:s23] =	ssyncadd.s32 $0xFFFFFFFF  }
0xa5: {  	s5 =	sld [smem:$0x0]  }
0xa6: {  	s6 =	sand.u32 $0xFFFFFFFE, s1  }
0xa7: {  	p0 =	sne.s32 s1, s6  }
0xa8: {  	s6 =	sshll.u32 @p0 s6, $0xE  }
0xa9: {  	s6 =	sadd.s32 @p0 $0x11B8D, s6;
	s7 =	sshll.u32 @p0 s5, $0x11  }
0xaa: {  	s6 =	sor.u32 @p0 s7, s6  }
0xab: {  	[sflag:s6] =	ssyncadd.remote.s32 @p0 $0x1;
	_ =	sdelay $0x1  }
0xac: {  	s6 =	simm.s32 @p0 $0x1B8D  }
0xad: {  	_ =	swait.eq @p0 [sflag:s6], $0x1  }
0xae: {  	[sflag:s6] =	ssyncadd.s32 @p0 $0xFFFFFFFF  }
0xaf: {  	s7 =	sshll.u32 @!p0 s1, $0xE  }
0xb0: {  	s7 =	sor.u32 @!p0 $0x4000, s7;
	s6 =	simm.s32 @!p0 $0x1B8D  }
0xb1: {  	s5 =	sshll.u32 @!p0 s5, $0x11;
	s7 =	sadd.s32 @!p0 $0x11B8D, s7;
	_ =	swait.eq @!p0 [sflag:s6], $0x1  }
0xb2: {  	s5 =	sor.u32 @!p0 s5, s7;
	[sflag:s6] =	ssyncadd.s32 @!p0 $0xFFFFFFFF  }
0xb3: {  	s25 =	simm.s32 $0x1B8E;
	s24 =	sld [smem:$0x3FFE];
	[sflag:s5] =	ssyncadd.remote.s32 @!p0 $0x1  }
0xb4: {  	s26 =	simm.s32 $execute0_lowered;
	[smem:$0x3FD2] =	sst s25  }
0xb5: {  	s6 =	sshll.u32 s26, $0x1;
	_ =	strace $0x80000049;
	[dreg:$0x1] =	wrdreg $0xFFFFFFFF  }
0xb6: {  	s28 =	simm.s32 $_size_execute0_lowered;
	s4 =	sadd.s32 s4, s6;
	[dreg:$0x0] =	wrdreg $0x0  }
0xb7: {  	s6 =	sshll.u32 s28, $0x1;
	[dreg:$0x2] =	wrdreg s4  }
0xb8: {  	[dreg:$0x3] =	wrdreg s6  }
0xb9: {  	[dreg:$0x4] =	wrdreg $0xC0  }
0xba: {  	_ =	task [dreg:s22], $0x5FFFF  }
0xbb: {  	[dreg:$0x1] =	wrdreg $0xFFFFFFFF  }
0xbc: {  	[dreg:$0x0] =	wrdreg $0x60  }
0xbd: {  	[dreg:$0x2] =	wrdreg s18  }
0xbe: {  	[dreg:$0x3] =	wrdreg s24  }
0xbf: {  	[dreg:$0x4] =	wrdreg $0xA  }
0xc0: {  	_ =	task.clear_ibuf [dreg:s22], $0x5FFFF;
	_ =	strace $0x90000049  }
0xc1: {  	s29 =	simm.s32 $0xA;
	_ =	strace $0x8000004B  }
0xc2: {  	_ =	swait.ge [sflag:s29], $0x1  }
0xc3: {  	[sflag:s29] =	ssyncadd.s32 $0xFFFFFFFF  }
0xc4: {  	_ =	strace $0x9000004B  }
0xc5: {  	_ =	sfence  }
0xc6: {  	s30 =	sld [smem:$0x0];
	_ =	sdelay $0x2  }
0xc7: {  	s31 =	sshll.u32 s1, $0xD;
	s1 =	sshrl.u32 s1, $0x2  }
0xc8: {  	s4 =	sand.u32 $0x4000, s31;
	s1 =	sadd.s32 s1, s30  }
0xc9: {  	s0 =	sor.u32 s4, s0;
	s1 =	sshll.u32 s1, $0x11  }
0xca: {  	s0 =	sor.u32 s1, s0  }
0xcb: {  	s0 =	sadd.s32 $0x8F2B, s0  }
0xcc: {  	[sflag:s0] =	ssyncadd.remote.s32 $0x1  }
0xcd: {  	_ =	sfence.sel $0xFFFF  }
0xce: {  	[dreg:$0x0] =	wrdreg $0xFFFFFFFF;
	(pc) =	sbr.abs _section_cstart, $3  }
0xcf: {  	[dreg:$0x1] =	wrdreg $0xFFFFFFFF  }
0xd0: {  	_ =	task.clear_ibuf [dreg:s22], $0x2FFFF;
	_ =	strace $0x9FFFFFFF  }
0xd1: {  	(tm) =	ssettm $0x7FFFFFFF  }
tec
execute0_lowered:
.L_overlay_start_1:
0x0: {  	(tag) =	ssettag $0x1  }
0x1: {  	s1 =	srdreg.scid  }
0x2: {  	s0 =	stileid.u32;
	s2 =	rddreg [dreg:$0x0]  }
0x3: {  	s5 =	rddreg [dreg:$0x1];
	s3 =	simm.s32 $0x0;
	s12 =	simm.s32 $0x0  }
0x4: {  	s4 =	sand.u32 $0x1, s1;
	s30 =	sshll.u32 s0, $0x1;
	s1 =	rddreg [dreg:$0x2]  }
0x5: {  	[smem:$0x7FF] =	sst s3;
	s7 =	smul.u32 $0x18800, s0;
	s6 =	sor.u32 s4, s30  }
0x6: {  	_ =	strace $0x8000004A;
	s8 =	ssub.s32 $0x2, s4;
	s11 =	smul.u32 $0x10800, s4  }
0x7: {  	s9 =	smul.u32 $0x11, s4;
	s10 =	sshrl.u32 s8, $0x1;
	s7 =	sadd.s32 s7, s5  }
0x8: {  	s6 =	smul.u32 $0x280, s6;
	s31 =	ssub.s32 s8, s10;
	s7 =	sadd.s32 s11, s7  }
0x9: {  	s8 =	simm.s32 $0x2;
	s10 =	simm.s32 $0x1400;
	s11 =	simm.s32 $0x1  }
0xa: {  	s6 =	sadd.s32 s6, s5;
	s5 =	smax.u32 s31, $0x1;
	s7 =	sadd.s32 $0xD9C00, s7  }
0xb: {  	s4 =	sadd.s32 $0x4C00, s6;
	s6 =	ssub.s32 $0x21, s9;
	s9 =	simm.s32 $0x80  }
.LBB2_1:
0xc: {  	[tilespmem:s3], [sflag:$0x2] =	stream.linear.gather [hbm4b:s4+s3], $0x1080, $0x38;
	[tilespmem:$0x5400] =	vst v63  }
0xd: {  	_ =	swait.ge [sflag:s8], $0x1080  }
0xe: {  	[sflag:s8] =	ssyncset.done $0x0  }
0xf: {  	[sflag:s8] =	ssyncadd.s32 $0xFFFFEF80  }
0x10: {  	[tilespmem:s10], [sflag:$0x1] =	stream.indirect.gather [hbm4b:s2+s9], $0x80, s3, s9, $0xb8;
	[tilespmem:$0x5400] =	vst v63  }
0x11: {  	p0 =	sne.s32 s6, $0x1;
	_ =	swait.ge [sflag:s11], $0x4000  }
.Ltmp0:
0x12: {  	[sflag:s11] =	ssyncset.done $0x0;
	(pc) =	sbr.rel @!p0 .LBB2_3-.Ltmp0, $4  }
0x13: {  	[sflag:s11] =	ssyncadd.s32 $0xFFFFC000  }
0x14: {  	[hbm4b:s7+s3] =	stream.linear.scatter [tilespmem:s10], [sflag:$0x2], $0x4000, $0x38;
	[tilespmem:$0x5400] =	vst v63  }
0x15: {  	s13 =	sadd.s32 $0xFFFFFFFF, s6;
	_ =	swait.ge [sflag:s8], $0x4000  }
0x16: {  	s14 =	smov.u32 s7;
	s15 =	simm.s32 $0x0;
	[sflag:s8] =	ssyncset.done $0x0  }
.LBB2_2:
0x17: {  	[sflag:s8] =	ssyncadd.s32 $0xFFFFC000;
	s14 =	sadd.s32 $0x800, s14;
	s15 =	sadd.s32 $0x80, s15  }
0x18: {  	[tilespmem:s10], [sflag:$0x1] =	stream.indirect.gather [hbm4b:s2+s9], $0x80, s15, s9, $0xb8;
	[tilespmem:$0x5400] =	vst v63  }
0x19: {  	p0 =	sne.s32 s13, $0x1;
	s13 =	sadd.s32 $0xFFFFFFFF, s13;
	_ =	swait.ge [sflag:s11], $0x4000  }
.Ltmp1:
0x1a: {  	[sflag:s11] =	ssyncset.done $0x0;
	(pc) =	sbr.rel @p0 .LBB2_2-.Ltmp1, $4  }
0x1b: {  	[sflag:s11] =	ssyncadd.s32 $0xFFFFC000  }
0x1c: {  	[hbm4b:s14+s3] =	stream.linear.scatter [tilespmem:s10], [sflag:$0x2], $0x4000, $0x38;
	[tilespmem:$0x5400] =	vst v63  }
0x1d: {  	_ =	swait.ge [sflag:s8], $0x4000  }
0x1e: {  	[sflag:s8] =	ssyncset.done $0x0  }
.LBB2_3:
0x1f: {  	s12 =	sadd.s32 $0x1, s12  }
0x20: {  	p0 =	sne.s32 s12, s5  }
.Ltmp2:
0x21: {  	_ = 	snop;
	(pc) =	sbr.rel @p0 .LBB2_1-.Ltmp2, $2  }
0x22: {  	_ =	sdelay $0x2  }
0x23: {  	[sflag:s8] =	ssyncadd.s32 $0xFFFFC000  }
0x24: {  	_ =	sfence.sel $0x180000  }
0x25: {  	[bflag:$0x0] =	sbarrier.arrive $0xFFFF  }
0x26: {  	p0 =	sne.s32 s0, $0x0;
	_ =	strace $0x9000004A  }
0x27: {  	s0 =	sadd.s32 @!p0 $0x100000, s1;
	[bflag:$0x2] =	sbarrier.arrive $0xFFFF  }
0x28: {  	[sflag:s0] =	ssyncadd.tile.s32 @!p0 $0x1;
	_ =	shalt  }
.Lfunc_end2:
_tile_overlayer_lowered:
.L_overlay_start_2:
0x29: {  	(tag) =	ssettag $0x2  }
0x2a: {  	s0 =	rddreg [dreg:$0x0];
	s2 =	stileid.u32  }
0x2b: {  	s1 =	rddreg [dreg:$0x1];
	p0 =	sne.s32 s2, $0x0  }
0x2c: {  	s3 =	rddreg [dreg:$0x2];
	[bflag:$0x3] =	sbarrier.arrive $0xFFFF;
	s2 =	simm.s32 @!p0 $0x1C02  }
0x2d: {  	[timem:s3], [sflag:s2] =	dma.local @!p0 [hbm:s0], s1  }
0x2e: {  	s0 =	simm.s32 @!p0 $0x2  }
0x2f: {  	_ =	swait.ge @!p0 [sflag:s0], s1  }
0x30: {  	s1 =	ssub.s32 @!p0 $0x0, s1;
	[sflag:s0] =	ssyncset.done @!p0 $0x0  }
0x31: {  	[sflag:s0] =	ssyncadd.s32 @!p0 s1  }
0x32: {  	[bflag:$0x3] =	sbarrier.arrive $0xFFFF  }
0x33: {  	_ =	shalt  }

// kernel: kernel.7.cloned.1.call-start
scs
__scs_entry_jumppad:
0x0: {  	(pc) =	sbr.rel $0x88, $3  }
0x1: {  	(tag) =	ssettag $0x0;
	lr =	simm.s32 $0x1  }
0x2: {  	[smem:$0x3F7A] =	sst lr;
	_ =	strace $0xD0000000  }
0x3: {  	_ = 	snop  }
0x4: {  	_ = 	snop  }
0x5: {  	_ = 	snop  }
0x6: {  	_ = 	snop  }
0x7: {  	_ = 	snop  }
__scs_overlays_trampoline_lowered:
0x8: {  	[smem:$0x3F89] =	sst s0  }
0x9: {  	[smem:$0x3F8A] =	sst s1  }
0xa: {  	[smem:$0x3F8B] =	sst s2  }
0xb: {  	[smem:$0x3F8C] =	sst s3  }
0xc: {  	[smem:$0x3F8D] =	sst s4  }
0xd: {  	[smem:$0x3F8E] =	sst s5  }
0xe: {  	[smem:$0x3F8F] =	sst s6  }
0xf: {  	[smem:$0x3F90] =	sst s7  }
0x10: {  	[smem:$0x3F91] =	sst s8  }
0x11: {  	[smem:$0x3F92] =	sst s9;
	s0 =	simm.s32 @!p0 $0x0  }
0x12: {  	s1 =	sld [smem:$0x3F78];
	s0 =	simm.s32 @p0 $0x1  }
0x13: {  	[smem:$0x3F93] =	sst s0;
	s0 =	simm.s32 @!p1 $0x0  }
0x14: {  	s2 =	sld [smem:$0x3F77];
	s0 =	simm.s32 @p1 $0x1  }
0x15: {  	[smem:$0x3F94] =	sst s0;
	s0 =	simm.s32 @!p2 $0x0  }
0x16: {  	s3 =	sld [smem:$0x3FDB];
	s0 =	simm.s32 @p2 $0x1  }
0x17: {  	s4 =	simm.s32 $0x1BF5;
	[smem:$0x3F96] =	sst s0  }
0x18: {  	s0 =	sld [smem:$0x3F79];
	_ =	swait.ge [sflag:s4], $0x0  }
0x19: {  	s7 =	sld [smem:$0x3F7A]  }
0x1a: {  	s8 =	sadd.s32 $0xFFFFE003, lr  }
0x1b: {  	s9 =	sadd.s32 $0xFFFFFEF7, lr;
	s5 =	simm.s32 $0xFFFFFFFF;
	p2 =	slt.u32 s8, $0xFFFFF086  }
0x1c: {  	p1 =	slt.u32 s9, $0xF7A;
	s5 =	simm.s32 @!p2 $0x0  }
0x1d: {  	s5 =	simm.s32 @p1 $0x1;
	p0 =	seq.s32 s7, s2  }
0x1e: {  	s7 =	smul.u32 @!p0 $0xF7A, s2;
	p2 =	seq.s32 @!p0 s5, $0x0  }
0x1f: {  	s9 =	smul.u32 $0xF7A, s1;
	s8 =	simm.s32 @!p0 $0x1BF5;
	p2 =	por !p2, p0  }
0x20: {  	[sflag:s8] =	ssyncset.s32 @!p0 $0xFFFFF086;
	s6 =	sadd.s32 @!p0 s3, s7;
	s7 =	simm.s32 @!p0 $0x108  }
0x21: {  	s3 =	sadd.s32 s3, s9;
	s6 =	sadd.s32 @!p0 $0x88, s6;
	s7 =	simm.s32 @p2 $0x1082  }
0x22: {  	[simem:s7], [sflag:s8] =	dma.local @!p0 [hbm:s6], $0xF7A  }
0x23: {  	s9 =	sor.u32 $0xD0000000, s2;
	s6 =	simm.s32 $0x108;
	_ =	swait.ge @!p0 [sflag:s8], $0x0  }
0x24: {  	s3 =	sadd.s32 $0x88, s3;
	s6 =	simm.s32 @!p1 $0x1082;
	[sflag:s4] =	ssyncset.s32 $0xFFFFF086  }
0x25: {  	[simem:s6], [sflag:s4] =	dma.local [hbm:s3], $0xF7A  }
0x26: {  	[smem:$0x3F7A] =	sst s1;
	(tag) =	ssettag s2;
	_ =	strace s9  }
0x27: {  	s1 =	sld [smem:$0x3F8A]  }
0x28: {  	s2 =	sld [smem:$0x3F8B]  }
0x29: {  	s4 =	sld [smem:$0x3F8D]  }
0x2a: {  	p0 =	seq.s32 s5, $0x0;
	s5 =	sld [smem:$0x3F8E]  }
0x2b: {  	s6 =	sld [smem:$0x3F8F]  }
0x2c: {  	s7 =	sld [smem:$0x3F90]  }
0x2d: {  	s3 =	simm.s32 $0x108;
	s8 =	sld [smem:$0x3F91]  }
0x2e: {  	s3 =	simm.s32 @!p0 $0x1082;
	s9 =	sld [smem:$0x3F92]  }
0x2f: {  	lr =	sadd.s32 s0, s3;
	s0 =	sld [smem:$0x3F89]  }
0x30: {  	s3 =	sld [smem:$0x3F8C]  }
0x31: {  	[smem:$0x3F95] =	sst s10  }
0x32: {  	s10 =	sld [smem:$0x3F93];
	_ =	sdelay $0x3  }
0x33: {  	p0 =	seq.s32 s10, $0x1;
	s10 =	sld [smem:$0x3F95];
	_ =	sdelay $0x3  }
0x34: {  	[smem:$0x3F95] =	sst s10  }
0x35: {  	s10 =	sld [smem:$0x3F94];
	_ =	sdelay $0x3  }
0x36: {  	p1 =	seq.s32 s10, $0x1;
	s10 =	sld [smem:$0x3F95];
	_ =	sdelay $0x3  }
0x37: {  	[smem:$0x3F95] =	sst s10  }
0x38: {  	s10 =	sld [smem:$0x3F96]  }
0x39: {  	_ = 	snop;
	(pc) =	sbr.ind lr, $3  }
0x3a: {  	_ = 	snop  }
0x3b: {  	_ = 	snop  }
0x3c: {  	p2 =	seq.s32 s10, $0x1;
	s10 =	sld [smem:$0x3F95]  }
0x3d: {  	_ =	shalt  }
0x3e: {  	_ =	shalt  }
0x3f: {  	_ =	shalt  }
0x40: {  	_ =	shalt  }
0x41: {  	_ =	shalt  }
0x42: {  	_ =	shalt  }
0x43: {  	_ =	shalt  }
0x44: {  	_ =	shalt  }
0x45: {  	_ =	shalt  }
0x46: {  	_ =	shalt  }
0x47: {  	_ =	shalt  }
0x48: {  	_ =	shalt  }
0x49: {  	_ =	shalt  }
0x4a: {  	_ =	shalt  }
0x4b: {  	_ =	shalt  }
0x4c: {  	_ =	shalt  }
0x4d: {  	_ =	shalt  }
0x4e: {  	_ =	shalt  }
0x4f: {  	_ =	shalt  }
0x50: {  	_ =	shalt  }
0x51: {  	_ =	shalt  }
0x52: {  	_ =	shalt  }
0x53: {  	_ =	shalt  }
0x54: {  	_ =	shalt  }
0x55: {  	_ =	shalt  }
0x56: {  	_ =	shalt  }
0x57: {  	_ =	shalt  }
0x58: {  	_ =	shalt  }
0x59: {  	_ =	shalt  }
0x5a: {  	_ =	shalt  }
0x5b: {  	_ =	shalt  }
0x5c: {  	_ =	shalt  }
0x5d: {  	_ =	shalt  }
0x5e: {  	_ =	shalt  }
0x5f: {  	_ =	shalt  }
0x60: {  	_ =	shalt  }
0x61: {  	_ =	shalt  }
0x62: {  	_ =	shalt  }
0x63: {  	_ =	shalt  }
0x64: {  	_ =	shalt  }
0x65: {  	_ =	shalt  }
0x66: {  	_ =	shalt  }
0x67: {  	_ =	shalt  }
0x68: {  	_ =	shalt  }
0x69: {  	_ =	shalt  }
0x6a: {  	_ =	shalt  }
0x6b: {  	_ =	shalt  }
0x6c: {  	_ =	shalt  }
0x6d: {  	_ =	shalt  }
0x6e: {  	_ =	shalt  }
0x6f: {  	_ =	shalt  }
0x70: {  	_ =	shalt  }
0x71: {  	_ =	shalt  }
0x72: {  	_ =	shalt  }
0x73: {  	_ =	shalt  }
0x74: {  	_ =	shalt  }
0x75: {  	_ =	shalt  }
0x76: {  	_ =	shalt  }
0x77: {  	_ =	shalt  }
0x78: {  	_ =	shalt  }
0x79: {  	_ =	shalt  }
0x7a: {  	_ =	shalt  }
0x7b: {  	_ =	shalt  }
0x7c: {  	_ =	shalt  }
0x7d: {  	_ =	shalt  }
0x7e: {  	_ =	shalt  }
0x7f: {  	_ =	shalt  }
0x80: {  	_ =	shalt  }
0x81: {  	_ =	shalt  }
0x82: {  	_ =	shalt  }
0x83: {  	_ =	shalt  }
0x84: {  	_ =	shalt  }
0x85: {  	_ =	shalt  }
0x86: {  	_ =	shalt  }
0x87: {  	_ =	shalt  }
.Lfunc_end0:
.L_simem_size_0:
called_computation_lowered:
.L_overlay_start_0:
0x88: {  	s2 =	sld [smem:$0x3FD9]  }
0x89: {  	s3 =	sld [smem:$0x3FFE];
	_ =	sdelay $0x1  }
0x8a: {  	s1 =	srdreg.scid  }
0x8b: {  	s0 =	sand.u32 $0x1, s1  }
0x8c: {  	s17 =	sshll.u32 s0, $0xA;
	s2 =	sadd.s32 s3, s2  }
0x8d: {  	s2 =	sadd.s32 s2, s17  }
0x8e: {  	[smem:$0x3FA1] =	sst s2  }
0x8f: {  	_ = 	snop  }
0x90: {  	s2 =	sld [smem:$0x3FC9]  }
0x91: {  	s18 =	sld [smem:$0x3FD0];
	(tm) =	ssettm $0x1  }
0x92: {  	s4 =	sld [smem:$0x3FFB];
	_ =	sdelay $0x3  }
0x93: {  	_ =	strace s4  }
0x94: {  	s4 =	sld [smem:$0x3FFC];
	_ =	sdelay $0x3  }
0x95: {  	_ =	strace s4  }
0x96: {  	s4 =	sld [smem:$0x3FFD];
	_ =	sdelay $0x3  }
0x97: {  	_ =	strace s4  }
0x98: {  	_ =	strace $0x8FFFFFFF  }
0x99: {  	s19 =	sld [smem:$0x3FDB];
	_ =	sdelay $0x1  }
0x9a: {  	s5 =	simm.s32 $_scs_section_size  }
0x9b: {  	s6 =	simm.s32 $_size__tile_overlayer_lowered;
	s7 =	simm.s32 $_tile_overlayer_lowered  }
0x9c: {  	s22 =	simm.s32 $0x1BFF;
	s21 =	sshll.u32 s7, $0x1;
	s4 =	sadd.s32 s5, s19  }
0x9d: {  	s8 =	simm.s32 $0x0;
	s20 =	sshll.u32 s6, $0x1;
	s6 =	sadd.s32 s21, s4  }
0x9e: {  	[timem:s8], [sflag:s22] =	dma.local [hbm:s6], s20  }
0x9f: {  	_ =	swait.ge [sflag:s22], s20  }
0xa0: {  	s5 =	ssub.s32 $0x0, s20;
	[sflag:s22] =	ssyncset.done $0x0  }
0xa1: {  	[sflag:s22] =	ssyncadd.s32 s5;
	_ =	sdelay $0x1  }
0xa2: {  	s23 =	simm.s32 $0x1B8B  }
0xa3: {  	_ =	swait.ge [sflag:s23], $0x1  }
0xa4: {  	[sflag:s23] =	ssyncset.done $0x0  }
0xa5: {  	s25 =	simm.s32 $0x1B8E;
	s24 =	sld [smem:$0x3FFE];
	[sflag:s23] =	ssyncadd.s32 $0xFFFFFFFF  }
0xa6: {  	s26 =	simm.s32 $execute0_lowered;
	[smem:$0x3FD2] =	sst s25  }
0xa7: {  	s6 =	sshll.u32 s26, $0x1;
	_ =	strace $0x80000046;
	[dreg:$0x1] =	wrdreg $0xFFFFFFFF  }
0xa8: {  	s28 =	simm.s32 $_size_execute0_lowered;
	s4 =	sadd.s32 s4, s6;
	[dreg:$0x0] =	wrdreg $0x0  }
0xa9: {  	s6 =	sshll.u32 s28, $0x1;
	[dreg:$0x2] =	wrdreg s4  }
0xaa: {  	[dreg:$0x3] =	wrdreg s6  }
0xab: {  	[dreg:$0x4] =	wrdreg $0xC0  }
0xac: {  	_ =	task [dreg:s8], $0x5FFFF  }
0xad: {  	[dreg:$0x1] =	wrdreg $0xFFFFFFFF  }
0xae: {  	[dreg:$0x0] =	wrdreg $0x60  }
0xaf: {  	[dreg:$0x2] =	wrdreg s2  }
0xb0: {  	[dreg:$0x3] =	wrdreg s18  }
0xb1: {  	[dreg:$0x4] =	wrdreg s24  }
0xb2: {  	[dreg:$0x5] =	wrdreg $0x9  }
0xb3: {  	_ =	task.clear_ibuf [dreg:s8], $0x6FFFF;
	_ =	strace $0x90000046  }
0xb4: {  	s29 =	simm.s32 $0x9;
	_ =	strace $0x80000048  }
0xb5: {  	_ =	swait.ge [sflag:s29], $0x1  }
0xb6: {  	[sflag:s29] =	ssyncadd.s32 $0xFFFFFFFF  }
0xb7: {  	_ =	strace $0x90000048  }
0xb8: {  	_ =	sfence  }
0xb9: {  	s30 =	sld [smem:$0x0];
	_ =	sdelay $0x2  }
0xba: {  	s31 =	sshll.u32 s1, $0xD;
	s1 =	sshrl.u32 s1, $0x2  }
0xbb: {  	s3 =	sand.u32 $0x4000, s31;
	s1 =	sadd.s32 s1, s30  }
0xbc: {  	s0 =	sor.u32 s3, s0;
	s1 =	sshll.u32 s1, $0x11  }
0xbd: {  	s0 =	sor.u32 s1, s0  }
0xbe: {  	s0 =	sadd.s32 $0x8F2B, s0  }
0xbf: {  	[sflag:s0] =	ssyncadd.remote.s32 $0x1  }
0xc0: {  	_ =	sfence.sel $0xFFFF  }
0xc1: {  	[dreg:$0x0] =	wrdreg $0xFFFFFFFF;
	(pc) =	sbr.abs _section_cstart, $3  }
0xc2: {  	[dreg:$0x1] =	wrdreg $0xFFFFFFFF  }
0xc3: {  	_ =	task.clear_ibuf [dreg:s8], $0x2FFFF;
	_ =	strace $0x9FFFFFFF  }
0xc4: {  	(tm) =	ssettm $0x7FFFFFFF  }
0xc5: {  	_ =	shalt  }
tec
execute0_lowered:
.L_overlay_start_1:
0x0: {  	(tag) =	ssettag $0x1  }
0x1: {  	s2 =	rddreg [dreg:$0x0]  }
0x2: {  	s5 =	rddreg [dreg:$0x1]  }
0x3: {  	s4 =	rddreg [dreg:$0x2]  }
0x4: {  	s0 =	rddreg [dreg:$0x3];
	s1 =	stileid.u32  }
0x5: {  	s6 =	srdreg.scid;
	s3 =	simm.s32 $0x0;
	s11 =	simm.s32 $0x1  }
0x6: {  	s12 =	simm.s32 $0x0;
	s7 =	smul.u32 $0xD000, s1;
	s6 =	sand.u32 $0x1, s6  }
0x7: {  	[smem:$0x7FF] =	sst s3;
	s31 =	sshll.u32 s1, $0x9;
	s8 =	ssub.s32 $0x2, s6  }
0x8: {  	_ =	strace $0x80000047;
	s9 =	sshll.u32 s6, $0x8;
	s10 =	smul.u32 $0x7800, s6  }
0x9: {  	s7 =	sadd.s32 s7, s4;
	s30 =	sshrl.u32 s8, $0x1;
	s4 =	sshll.u32 s6, $0x2  }
0xa: {  	s5 =	sadd.s32 s5, s9;
	s9 =	simm.s32 $0x80;
	s8 =	ssub.s32 s8, s30  }
0xb: {  	s5 =	sadd.s32 s31, s5;
	s7 =	sadd.s32 s10, s7;
	s10 =	simm.s32 $0x800  }
0xc: {  	s6 =	smax.u32 s8, $0x1;
	s7 =	sadd.s32 $0x9C00, s7;
	s8 =	simm.s32 $0x2  }
.LBB2_1:
0xd: {  	[tilespmem:s3], [sflag:$0x2] =	stream.linear.gather [hbm4b:s5+s3], $0x780, $0x38;
	[tilespmem:$0x4800] =	vst v63  }
0xe: {  	_ =	swait.ge [sflag:s8], $0x780  }
0xf: {  	s13 =	simm.s32 $0x0;
	[sflag:s8] =	ssyncset.done $0x0  }
0x10: {  	s14 =	smov.u32 s7;
	s15 =	simm.s32 $0x1;
	[sflag:s8] =	ssyncadd.s32 $0xFFFFF880  }
.LBB2_2:
0x11: {  	[tilespmem:s10], [sflag:$0x1] =	stream.indirect.gather [hbm4b:s2+s9], $0x80, s13, s9, $0xb8;
	[tilespmem:$0x4800] =	vst v63  }
0x12: {  	s16 =	sxor.u32 s15, s4;
	_ =	swait.ge [sflag:s11], $0x4000  }
0x13: {  	p0 =	sne.s32 s16, $0xF;
	[sflag:s11] =	ssyncset.done $0x0  }
.Ltmp0:
0x14: {  	[sflag:s11] =	ssyncadd.s32 $0xFFFFC000;
	(pc) =	sbr.rel @p0 .LBB2_2-.Ltmp0, $4  }
0x15: {  	[hbm4b:s14+s3] =	stream.linear.scatter [tilespmem:s10], [sflag:$0x2], $0x4000, $0x38;
	[tilespmem:$0x4800] =	vst v63  }
0x16: {  	_ =	swait.ge [sflag:s8], $0x4000  }
0x17: {  	s15 =	sadd.s32 $0x1, s15;
	[sflag:s8] =	ssyncset.done $0x0  }
0x18: {  	s13 =	sadd.s32 $0x80, s13;
	s14 =	sadd.s32 $0x800, s14;
	[sflag:s8] =	ssyncadd.s32 $0xFFFFC000  }
0x19: {  	s12 =	sadd.s32 $0x1, s12  }
0x1a: {  	p0 =	sne.s32 s12, s6  }
.Ltmp1:
0x1b: {  	_ = 	snop;
	(pc) =	sbr.rel @p0 .LBB2_1-.Ltmp1, $1  }
0x1c: {  	_ =	sdelay $0x3  }
0x1d: {  	_ =	sfence.sel $0x180000  }
0x1e: {  	[bflag:$0x0] =	sbarrier.arrive $0xFFFF  }
0x1f: {  	p0 =	sne.s32 s1, $0x0;
	_ =	strace $0x90000047  }
0x20: {  	s0 =	sadd.s32 @!p0 $0x100000, s0;
	[bflag:$0x2] =	sbarrier.arrive $0xFFFF  }
0x21: {  	[sflag:s0] =	ssyncadd.tile.s32 @!p0 $0x1;
	_ =	shalt  }
.Lfunc_end2:
_tile_overlayer_lowered:
.L_overlay_start_2:
0x22: {  	(tag) =	ssettag $0x2  }
0x23: {  	s0 =	rddreg [dreg:$0x0];
	s2 =	stileid.u32  }
0x24: {  	s1 =	rddreg [dreg:$0x1];
	p0 =	sne.s32 s2, $0x0  }
0x25: {  	s3 =	rddreg [dreg:$0x2];
	[bflag:$0x3] =	sbarrier.arrive $0xFFFF;
	s2 =	simm.s32 @!p0 $0x1C02  }
0x26: {  	[timem:s3], [sflag:s2] =	dma.local @!p0 [hbm:s0], s1  }
0x27: {  	s0 =	simm.s32 @!p0 $0x2  }
0x28: {  	_ =	swait.ge @!p0 [sflag:s0], s1  }
0x29: {  	s1 =	ssub.s32 @!p0 $0x0, s1;
	[sflag:s0] =	ssyncset.done @!p0 $0x0  }
0x2a: {  	[sflag:s0] =	ssyncadd.s32 @!p0 s1  }
0x2b: {  	[bflag:$0x3] =	sbarrier.arrive $0xFFFF  }
0x2c: {  	_ =	shalt  }

</sc_bundles>
